<compile_context>
chip_gen: v7x
topology: tpu7x:2x2x1
jax: 0.10.2.dev20260603
libtpu: 0.0.44.dev20260713+nightly
codegen_flags: <defaults>
</compile_context>

<pallas_src>
import jax
import jax.numpy as jnp
from jax import lax
from jax.experimental import pallas as pl
from jax.experimental.pallas import tpu as pltpu
from jax.experimental.pallas import tpu_sc as plsc

B = 16384
D = 128
S = 17
L = 16

NC = 2
NS = 16
NW = NC * NS

ROWS_W = B // NW
ROWS_C = 8
PAIRS_C = ROWS_C * S
CHUNKS_W = ROWS_W // ROWS_C
PAIRS_W = ROWS_W * S
NSEG = D // L
NBUF = 2


def _sc_body(idx_hbm, ctx_hbm, w_hbm, b_hbm, out_hbm,
             idx_v, bias_v, logits_v, acc_v, wbufs, ctxbufs,
             semw, semc, semb):
    wid = lax.axis_index("s") * NC + lax.axis_index("c")
    row0 = wid * ROWS_W

    pltpu.sync_copy(idx_hbm.at[pl.ds(wid * PAIRS_W, PAIRS_W)], idx_v)
    pltpu.async_copy(b_hbm.at[idx_v], bias_v, semb)

    def fire(c, t):
        pltpu.async_copy(w_hbm.at[idx_v.at[pl.ds(c * PAIRS_C, PAIRS_C)]],
                         wbufs[t], semw[t])
        pltpu.async_copy(ctx_hbm.at[pl.ds(row0 + c * ROWS_C, ROWS_C)],
                         ctxbufs[t], semc[t])

    def drain(t):
        pltpu.make_async_copy(w_hbm.at[pl.ds(0, PAIRS_C)], wbufs[t],
                              semw[t]).wait()
        pltpu.make_async_copy(ctx_hbm.at[pl.ds(0, ROWS_C)], ctxbufs[t],
                              semc[t]).wait()

    iota16 = lax.iota(jnp.int32, L)

    def compute(c, t):
        wbuf, ctxbuf = wbufs[t], ctxbufs[t]

        @plsc.parallel_loop(0, ROWS_C, 1, unroll=1)
        def i_body(i):
            ctx = [ctxbuf[i, pl.ds(k * L, L)] for k in range(NSEG)]

            @plsc.parallel_loop(0, S, 1, unroll=2)
            def s_body(s):
                row = i * S + s
                a = [wbuf[row, pl.ds(k * L, L)] * ctx[k] for k in range(4)]
                for k in range(4, NSEG):
                    a[k % 4] = a[k % 4] + wbuf[row, pl.ds(k * L, L)] * ctx[k]
                acc_v[row, pl.ds(0, L)] = (a[0] + a[1]) + (a[2] + a[3])

        nfull = PAIRS_C // L

        @plsc.parallel_loop(0, nfull, 1, unroll=1)
        def g_body(grp):
            rows = grp * L + iota16
            tot = plsc.load_gather(acc_v, [rows, jnp.zeros((L,), jnp.int32)])
            for d in range(1, L):
                tot = tot + plsc.load_gather(
                    acc_v, [rows, jnp.full((L,), d, jnp.int32)])
            pair = c * PAIRS_C + grp * L + iota16
            plsc.store_scatter(logits_v, [pair // S, pair % S], tot)

        if PAIRS_C % L:
            grp = nfull
            rows = grp * L + iota16
            tot = plsc.load_gather(acc_v, [rows, jnp.zeros((L,), jnp.int32)])
            for d in range(1, L):
                tot = tot + plsc.load_gather(
                    acc_v, [rows, jnp.full((L,), d, jnp.int32)])
            pair = c * PAIRS_C + grp * L + iota16
            plsc.store_scatter(logits_v, [pair // S, pair % S], tot,
                               mask=iota16 < (PAIRS_C - grp * L))

    for t in range(NBUF):
        fire(t, t)

    def loop_body(g, _):
        for t in range(NBUF):
            c = g * NBUF + t
            drain(t)
            compute(c, t)

            @pl.when(c + NBUF < CHUNKS_W)
            def _(c=c, t=t):
                fire(c + NBUF, t)

        return 0

    lax.fori_loop(0, CHUNKS_W // NBUF, loop_body, 0)

    pltpu.make_async_copy(b_hbm.at[pl.ds(0, PAIRS_W)], bias_v, semb).wait()

    iota = lax.iota(jnp.int32, L)

    def jblock(j, _):
        b = j * L + iota
        base = b * S
        xs = []
        for s in range(S):
            lg = plsc.load_gather(logits_v, [b, jnp.full((L,), s, jnp.int32)])
            bi = plsc.load_gather(bias_v, [base + s])
            xs.append(lg + bi)
        m = xs[0]
        for s in range(1, S):
            m = jnp.maximum(m, xs[s])
        es = [jnp.exp(x - m) for x in xs]
        tot = es[0]
        for s in range(1, S):
            tot = tot + es[s]
        r = 1.0 / tot
        for s in range(S):
            plsc.store_scatter(logits_v, [b, jnp.full((L,), s, jnp.int32)],
                               es[s] * r)
        return 0

    lax.fori_loop(0, ROWS_W // L, jblock, 0)

    pltpu.sync_copy(logits_v, out_hbm.at[pl.ds(row0, ROWS_W)])


@jax.jit
def _run(idx, context, w_table, b_flat):
    mesh = plsc.VectorSubcoreMesh(core_axis_name="c", subcore_axis_name="s",
                                  num_cores=NC, num_subcores=NS)
    return pl.kernel(
        _sc_body,
        out_type=jax.ShapeDtypeStruct((B, S), jnp.float32),
        mesh=mesh,
        compiler_params=pltpu.CompilerParams(needs_layout_passes=False,
                                             use_tc_tiling_on_sc=False),
        scratch_types=[
            pltpu.VMEM((PAIRS_W,), jnp.int32),
            pltpu.VMEM((PAIRS_W,), jnp.float32),
            pltpu.VMEM((ROWS_W, S), jnp.float32),
            pltpu.VMEM((((PAIRS_C + L - 1) // L) * L, L), jnp.float32),
            [pltpu.VMEM((PAIRS_C, D), jnp.float32) for _ in range(NBUF)],
            [pltpu.VMEM((ROWS_C, D), jnp.float32) for _ in range(NBUF)],
            [pltpu.SemaphoreType.DMA for _ in range(NBUF)],
            [pltpu.SemaphoreType.DMA for _ in range(NBUF)],
            pltpu.SemaphoreType.DMA,
        ],
    )(idx, context, w_table, b_flat)


def kernel(samples, context, w_table, b_table):
    idx = samples.astype(jnp.int32).reshape(-1)
    return _run(idx, context, w_table, b_table.reshape(-1))

# --- scband reference (transcript-rebuilt; emitter-appended) ---
"""Pipeline reference for scband-random-softmax-55052890800184 (READ-ONLY COPY).

The authoritative reference and input builder live on the scoring server;
editing this copy changes nothing except your own understanding.
"""

import jax, jax.numpy as jnp
import numpy as np

VOCAB = 1000000
DIM = 128
BATCH = 16384
NSAMP = 17

def setup_inputs(seed: int = 0) -> dict:
    key = jax.random.key(seed)
    k1, k2, k3, k4 = jax.random.split(key, 4)
    samples = jax.random.randint(k1, (BATCH, NSAMP), 0, VOCAB, dtype=jnp.int32).astype(jnp.int64)
    context = jax.random.normal(k2, (BATCH, DIM), dtype=jnp.float32)
    # learned parameters: embedding tables for weights and biases
    w_table = jax.random.uniform(k3, (VOCAB, DIM), dtype=jnp.float32, minval=-0.05, maxval=0.05)
    b_table = jax.random.uniform(k4, (VOCAB, 1), dtype=jnp.float32, minval=-0.05, maxval=0.05)
    return {"samples": samples, "context": context, "w_table": w_table, "b_table": b_table}

def reference(samples, context, w_table, b_table):
    # Embedding lookups (gather)
    weights = jnp.take(w_table, samples, axis=0)   # [B, NSAMP, DIM]
    biases = jnp.take(b_table, samples, axis=0)    # [B, NSAMP, 1]
    ctx = context[:, :, None]                       # [B, DIM, 1]
    x = jnp.einsum('aij,ajk->aik', weights, ctx) + biases  # [B, NSAMP, 1]
    x = jnp.squeeze(x, axis=2)                      # [B, NSAMP]
    x = jax.nn.softmax(x, axis=-1)
    return x

if __name__ == "__main__":
    import jax
    _d = setup_inputs()
    print(jax.jit(kernel)(*tuple(_d.values())))

</pallas_src>

<mosaic_0001>
#map = affine_map<(d0, d1) -> (0)>
#map1 = affine_map<(d0, d1) -> (0, 0)>
module attributes {stable_mosaic.version = 14 : i64} {
  func.func @_sc_body(%arg0: i32, %arg1: i32, %arg2: memref<278528xi32, #tpu.memory_space<hbm>>, %arg3: memref<16384x128xf32, #tpu.memory_space<hbm>>, %arg4: memref<1000000x128xf32, #tpu.memory_space<hbm>>, %arg5: memref<1000000xf32, #tpu.memory_space<hbm>>, %arg6: memref<16384x17xf32, #tpu.memory_space<hbm>>, %arg7: memref<8704xi32, #tpu.memory_space<vmem>>, %arg8: memref<8704xf32, #tpu.memory_space<vmem>>, %arg9: memref<512x17xf32, #tpu.memory_space<vmem>>, %arg10: memref<144x16xf32, #tpu.memory_space<vmem>>, %arg11: memref<136x128xf32, #tpu.memory_space<vmem>>, %arg12: memref<136x128xf32, #tpu.memory_space<vmem>>, %arg13: memref<8x128xf32, #tpu.memory_space<vmem>>, %arg14: memref<8x128xf32, #tpu.memory_space<vmem>>, %arg15: memref<!tpu.dma_semaphore, #tpu.memory_space<semaphore_mem>>, %arg16: memref<!tpu.dma_semaphore, #tpu.memory_space<semaphore_mem>>, %arg17: memref<!tpu.dma_semaphore, #tpu.memory_space<semaphore_mem>>, %arg18: memref<!tpu.dma_semaphore, #tpu.memory_space<semaphore_mem>>, %arg19: memref<!tpu.dma_semaphore, #tpu.memory_space<semaphore_mem>>) attributes {dimension_semantics = [#tpu.dimension_semantics<core_parallel>, #tpu.dimension_semantics<subcore_parallel>], iteration_bounds = array<i64: 2, 16>, scalar_prefetch = 0 : i64, scratch_operands = 13 : i64, tpu.core_type = #tpu.core_type<sc_vector_subcore>, window_params = [{transform_indices = #map}, {transform_indices = #map1}, {transform_indices = #map1}, {transform_indices = #map}, {transform_indices = #map1}]} {
    %mul3A = arith.constant 2 : i32
    %mul3A_0 = arith.muli %arg1, %mul3A : i32
    %add3A = arith.addi %mul3A_0, %arg0 : i32
    %mul3A_1 = arith.constant 512 : i32
    %mul3A_2 = arith.muli %add3A, %mul3A_1 : i32
    %mul3A_3 = arith.constant 8704 : i32
    %mul3A_4 = arith.muli %add3A, %mul3A_3 : i32
    "tpu.region"() ({
      %run_scoped3A = tpu.sem_alloc : memref<!tpu.dma_semaphore, #tpu.memory_space<semaphore_mem>>
      %dma_start3A_45 = tpu.memref_slice %arg2[%mul3A_4] : memref<278528xi32, #tpu.memory_space<hbm>> -> memref<8704xi32, #tpu.memory_space<hbm>>
      %dma_start3A_46 = tpu.memref_slice %arg2[%mul3A_4] : memref<278528xi32, #tpu.memory_space<hbm>> -> memref<8704xi32, #tpu.memory_space<hbm>>
      tpu.enqueue_dma source(%dma_start3A_46 : memref<8704xi32, #tpu.memory_space<hbm>>) target(%arg7 : memref<8704xi32, #tpu.memory_space<vmem>>) target_semaphore(%run_scoped3A : memref<!tpu.dma_semaphore, #tpu.memory_space<semaphore_mem>>)
      %dma_wait3A_47 = tpu.memref_slice %arg2[%mul3A_4] : memref<278528xi32, #tpu.memory_space<hbm>> -> memref<8704xi32, #tpu.memory_space<hbm>>
      %dma_wait3A_48 = tpu.memref_slice %arg2[%mul3A_4] : memref<278528xi32, #tpu.memory_space<hbm>> -> memref<8704xi32, #tpu.memory_space<hbm>>
      tpu.wait_dma2 semaphore(%run_scoped3A : memref<!tpu.dma_semaphore, #tpu.memory_space<semaphore_mem>>) src(%dma_wait3A_48 : memref<8704xi32, #tpu.memory_space<hbm>>) dst(%arg7 : memref<8704xi32, #tpu.memory_space<vmem>>)
      tpu.yield
    }) : () -> ()
    %dma_start3A = arith.constant 0 : i32
    %dma_start3A_5 = tpu.memref_slice %arg5[%dma_start3A] : memref<1000000xf32, #tpu.memory_space<hbm>> -> memref<1000000xf32, #tpu.memory_space<hbm>>
    tpu.enqueue_indirect_dma source(%dma_start3A_5 : memref<1000000xf32, #tpu.memory_space<hbm>>) target(%arg8 : memref<8704xf32, #tpu.memory_space<vmem>>) offsets(%arg7 : memref<8704xi32, #tpu.memory_space<vmem>>) semaphore(%arg19 : memref<!tpu.dma_semaphore, #tpu.memory_space<semaphore_mem>>)
    %iota3A = tpu.iota {dimensions = array<i32: 0>} : vector<16xi32>
    %dma_start3A_6 = arith.constant 0 : i32
    %dma_start3A_7 = tpu.memref_slice %arg7[%dma_start3A_6] : memref<8704xi32, #tpu.memory_space<vmem>> -> memref<136xi32, #tpu.memory_space<vmem>>
    %dma_start3A_8 = arith.constant 0 : i32
    %dma_start3A_9 = arith.constant 0 : i32
    %dma_start3A_10 = tpu.memref_slice %arg4[%dma_start3A_8, %dma_start3A_9] : memref<1000000x128xf32, #tpu.memory_space<hbm>> -> memref<1000000x128xf32, #tpu.memory_space<hbm>>
    tpu.enqueue_indirect_dma source(%dma_start3A_10 : memref<1000000x128xf32, #tpu.memory_space<hbm>>) target(%arg11 : memref<136x128xf32, #tpu.memory_space<vmem>>) offsets(%dma_start3A_7 : memref<136xi32, #tpu.memory_space<vmem>>) semaphore(%arg15 : memref<!tpu.dma_semaphore, #tpu.memory_space<semaphore_mem>>)
    %add3A_11 = arith.constant 0 : i32
    %add3A_12 = arith.addi %mul3A_2, %add3A_11 : i32
    %dma_start3A_13 = arith.constant 0 : i32
    %dma_start3A_14 = tpu.memref_slice %arg3[%add3A_12, %dma_start3A_13] : memref<16384x128xf32, #tpu.memory_space<hbm>> -> memref<8x128xf32, #tpu.memory_space<hbm>>
    %dma_start3A_15 = arith.constant 0 : i32
    %dma_start3A_16 = tpu.memref_slice %arg3[%add3A_12, %dma_start3A_15] : memref<16384x128xf32, #tpu.memory_space<hbm>> -> memref<8x128xf32, #tpu.memory_space<hbm>>
    tpu.enqueue_dma source(%dma_start3A_16 : memref<8x128xf32, #tpu.memory_space<hbm>>) target(%arg13 : memref<8x128xf32, #tpu.memory_space<vmem>>) target_semaphore(%arg17 : memref<!tpu.dma_semaphore, #tpu.memory_space<semaphore_mem>>)
    %dma_start3A_17 = arith.constant 136 : i32
    %dma_start3A_18 = tpu.memref_slice %arg7[%dma_start3A_17] : memref<8704xi32, #tpu.memory_space<vmem>> -> memref<136xi32, #tpu.memory_space<vmem>>
    %dma_start3A_19 = arith.constant 0 : i32
    %dma_start3A_20 = arith.constant 0 : i32
    %dma_start3A_21 = tpu.memref_slice %arg4[%dma_start3A_19, %dma_start3A_20] : memref<1000000x128xf32, #tpu.memory_space<hbm>> -> memref<1000000x128xf32, #tpu.memory_space<hbm>>
    tpu.enqueue_indirect_dma source(%dma_start3A_21 : memref<1000000x128xf32, #tpu.memory_space<hbm>>) target(%arg12 : memref<136x128xf32, #tpu.memory_space<vmem>>) offsets(%dma_start3A_18 : memref<136xi32, #tpu.memory_space<vmem>>) semaphore(%arg16 : memref<!tpu.dma_semaphore, #tpu.memory_space<semaphore_mem>>)
    %add3A_22 = arith.constant 8 : i32
    %add3A_23 = arith.addi %mul3A_2, %add3A_22 : i32
    %dma_start3A_24 = arith.constant 0 : i32
    %dma_start3A_25 = tpu.memref_slice %arg3[%add3A_23, %dma_start3A_24] : memref<16384x128xf32, #tpu.memory_space<hbm>> -> memref<8x128xf32, #tpu.memory_space<hbm>>
    %dma_start3A_26 = arith.constant 0 : i32
    %dma_start3A_27 = tpu.memref_slice %arg3[%add3A_23, %dma_start3A_26] : memref<16384x128xf32, #tpu.memory_space<hbm>> -> memref<8x128xf32, #tpu.memory_space<hbm>>
    tpu.enqueue_dma source(%dma_start3A_27 : memref<8x128xf32, #tpu.memory_space<hbm>>) target(%arg14 : memref<8x128xf32, #tpu.memory_space<vmem>>) target_semaphore(%arg18 : memref<!tpu.dma_semaphore, #tpu.memory_space<semaphore_mem>>)
    %scan3A = arith.constant 0 : i32
    %scan3A_28 = arith.constant 0 : i32
    %scan3A_29 = arith.constant 32 : i32
    %scan3A_30 = arith.addi %scan3A_28, %scan3A_29 : i32
    %scan3A_31 = arith.constant 1 : i32
    %scan3A_32 = scf.for %scan3A_45 = %scan3A_28 to %scan3A_30 step %scan3A_31 iter_args(%scan3A_46 = %scan3A) -> (i32)  : i32 {
      %mul3A_47 = arith.constant 2 : i32
      %mul3A_48 = arith.muli %scan3A_45, %mul3A_47 : i32
      %add3A_49 = arith.constant 0 : i32
      %add3A_50 = arith.addi %mul3A_48, %add3A_49 : i32
      %dma_wait3A_51 = arith.constant 0 : i32
      %dma_wait3A_52 = arith.constant 0 : i32
      %dma_wait3A_53 = tpu.memref_slice %arg4[%dma_wait3A_51, %dma_wait3A_52] : memref<1000000x128xf32, #tpu.memory_space<hbm>> -> memref<136x128xf32, #tpu.memory_space<hbm>>
      %dma_wait3A_54 = arith.constant 0 : i32
      %dma_wait3A_55 = arith.constant 0 : i32
      %dma_wait3A_56 = tpu.memref_slice %arg4[%dma_wait3A_54, %dma_wait3A_55] : memref<1000000x128xf32, #tpu.memory_space<hbm>> -> memref<136x128xf32, #tpu.memory_space<hbm>>
      tpu.wait_dma2 semaphore(%arg15 : memref<!tpu.dma_semaphore, #tpu.memory_space<semaphore_mem>>) src(%dma_wait3A_56 : memref<136x128xf32, #tpu.memory_space<hbm>>) dst(%arg11 : memref<136x128xf32, #tpu.memory_space<vmem>>)
      %dma_wait3A_57 = arith.constant 0 : i32
      %dma_wait3A_58 = arith.constant 0 : i32
      %dma_wait3A_59 = tpu.memref_slice %arg3[%dma_wait3A_57, %dma_wait3A_58] : memref<16384x128xf32, #tpu.memory_space<hbm>> -> memref<8x128xf32, #tpu.memory_space<hbm>>
      %dma_wait3A_60 = arith.constant 0 : i32
      %dma_wait3A_61 = arith.constant 0 : i32
      %dma_wait3A_62 = tpu.memref_slice %arg3[%dma_wait3A_60, %dma_wait3A_61] : memref<16384x128xf32, #tpu.memory_space<hbm>> -> memref<8x128xf32, #tpu.memory_space<hbm>>
      tpu.wait_dma2 semaphore(%arg17 : memref<!tpu.dma_semaphore, #tpu.memory_space<semaphore_mem>>) src(%dma_wait3A_62 : memref<8x128xf32, #tpu.memory_space<hbm>>) dst(%arg13 : memref<8x128xf32, #tpu.memory_space<vmem>>)
      %parallel_loop3A = arith.constant 0 : i32
      %parallel_loop3A_63 = arith.constant 8 : i32
      %parallel_loop3A_64 = arith.constant 1 : i32
      scf.for %parallel_loop3A_347 = %parallel_loop3A to %parallel_loop3A_63 step %parallel_loop3A_64  : i32 {
        %parallel_loop3A_348 = arith.index_cast %parallel_loop3A_347 : i32 to index
        %parallel_loop3A_349 = arith.constant 0 : index
        %parallel_loop3A_350 = tpu.vector_load %arg13[%parallel_loop3A_348, %parallel_loop3A_349] {strides = array<i32>} : memref<8x128xf32, #tpu.memory_space<vmem>>, vector<16xf32>,
        %parallel_loop3A_351 = arith.index_cast %parallel_loop3A_347 : i32 to index
        %parallel_loop3A_352 = arith.constant 16 : index
        %parallel_loop3A_353 = tpu.vector_load %arg13[%parallel_loop3A_351, %parallel_loop3A_352] {strides = array<i32>} : memref<8x128xf32, #tpu.memory_space<vmem>>, vector<16xf32>,
        %parallel_loop3A_354 = arith.index_cast %parallel_loop3A_347 : i32 to index
        %parallel_loop3A_355 = arith.constant 32 : index
        %parallel_loop3A_356 = tpu.vector_load %arg13[%parallel_loop3A_354, %parallel_loop3A_355] {strides = array<i32>} : memref<8x128xf32, #tpu.memory_space<vmem>>, vector<16xf32>,
        %parallel_loop3A_357 = arith.index_cast %parallel_loop3A_347 : i32 to index
        %parallel_loop3A_358 = arith.constant 48 : index
        %parallel_loop3A_359 = tpu.vector_load %arg13[%parallel_loop3A_357, %parallel_loop3A_358] {strides = array<i32>} : memref<8x128xf32, #tpu.memory_space<vmem>>, vector<16xf32>,
        %parallel_loop3A_360 = arith.index_cast %parallel_loop3A_347 : i32 to index
        %parallel_loop3A_361 = arith.constant 64 : index
        %parallel_loop3A_362 = tpu.vector_load %arg13[%parallel_loop3A_360, %parallel_loop3A_361] {strides = array<i32>} : memref<8x128xf32, #tpu.memory_space<vmem>>, vector<16xf32>,
        %parallel_loop3A_363 = arith.index_cast %parallel_loop3A_347 : i32 to index
        %parallel_loop3A_364 = arith.constant 80 : index
        %parallel_loop3A_365 = tpu.vector_load %arg13[%parallel_loop3A_363, %parallel_loop3A_364] {strides = array<i32>} : memref<8x128xf32, #tpu.memory_space<vmem>>, vector<16xf32>,
        %parallel_loop3A_366 = arith.index_cast %parallel_loop3A_347 : i32 to index
        %parallel_loop3A_367 = arith.constant 96 : index
        %parallel_loop3A_368 = tpu.vector_load %arg13[%parallel_loop3A_366, %parallel_loop3A_367] {strides = array<i32>} : memref<8x128xf32, #tpu.memory_space<vmem>>, vector<16xf32>,
        %parallel_loop3A_369 = arith.index_cast %parallel_loop3A_347 : i32 to index
        %parallel_loop3A_370 = arith.constant 112 : index
        %parallel_loop3A_371 = tpu.vector_load %arg13[%parallel_loop3A_369, %parallel_loop3A_370] {strides = array<i32>} : memref<8x128xf32, #tpu.memory_space<vmem>>, vector<16xf32>,
        %parallel_loop3A_372 = arith.constant 0 : i32
        %parallel_loop3A_373 = arith.constant 17 : i32
        %parallel_loop3A_374 = arith.constant 1 : i32
        scf.for %parallel_loop3A_375 = %parallel_loop3A_372 to %parallel_loop3A_373 step %parallel_loop3A_374  : i32 {
          %parallel_loop3A_376 = arith.constant 17 : i32
          %parallel_loop3A_377 = arith.muli %parallel_loop3A_347, %parallel_loop3A_376 : i32
          %parallel_loop3A_378 = arith.addi %parallel_loop3A_377, %parallel_loop3A_375 : i32
          %parallel_loop3A_379 = arith.index_cast %parallel_loop3A_378 : i32 to index
          %parallel_loop3A_380 = arith.constant 0 : index
          %parallel_loop3A_381 = tpu.vector_load %arg11[%parallel_loop3A_379, %parallel_loop3A_380] {strides = array<i32>} : memref<136x128xf32, #tpu.memory_space<vmem>>, vector<16xf32>,
          %parallel_loop3A_382 = arith.mulf %parallel_loop3A_381, %parallel_loop3A_350 : vector<16xf32>
          %parallel_loop3A_383 = arith.index_cast %parallel_loop3A_378 : i32 to index
          %parallel_loop3A_384 = arith.constant 16 : index
          %parallel_loop3A_385 = tpu.vector_load %arg11[%parallel_loop3A_383, %parallel_loop3A_384] {strides = array<i32>} : memref<136x128xf32, #tpu.memory_space<vmem>>, vector<16xf32>,
          %parallel_loop3A_386 = arith.mulf %parallel_loop3A_385, %parallel_loop3A_353 : vector<16xf32>
          %parallel_loop3A_387 = arith.index_cast %parallel_loop3A_378 : i32 to index
          %parallel_loop3A_388 = arith.constant 32 : index
          %parallel_loop3A_389 = tpu.vector_load %arg11[%parallel_loop3A_387, %parallel_loop3A_388] {strides = array<i32>} : memref<136x128xf32, #tpu.memory_space<vmem>>, vector<16xf32>,
          %parallel_loop3A_390 = arith.mulf %parallel_loop3A_389, %parallel_loop3A_356 : vector<16xf32>
          %parallel_loop3A_391 = arith.index_cast %parallel_loop3A_378 : i32 to index
          %parallel_loop3A_392 = arith.constant 48 : index
          %parallel_loop3A_393 = tpu.vector_load %arg11[%parallel_loop3A_391, %parallel_loop3A_392] {strides = array<i32>} : memref<136x128xf32, #tpu.memory_space<vmem>>, vector<16xf32>,
          %parallel_loop3A_394 = arith.mulf %parallel_loop3A_393, %parallel_loop3A_359 : vector<16xf32>
          %parallel_loop3A_395 = arith.index_cast %parallel_loop3A_378 : i32 to index
          %parallel_loop3A_396 = arith.constant 64 : index
          %parallel_loop3A_397 = tpu.vector_load %arg11[%parallel_loop3A_395, %parallel_loop3A_396] {strides = array<i32>} : memref<136x128xf32, #tpu.memory_space<vmem>>, vector<16xf32>,
          %parallel_loop3A_398 = arith.mulf %parallel_loop3A_397, %parallel_loop3A_362 : vector<16xf32>
          %parallel_loop3A_399 = arith.addf %parallel_loop3A_382, %parallel_loop3A_398 : vector<16xf32>
          %parallel_loop3A_400 = arith.index_cast %parallel_loop3A_378 : i32 to index
          %parallel_loop3A_401 = arith.constant 80 : index
          %parallel_loop3A_402 = tpu.vector_load %arg11[%parallel_loop3A_400, %parallel_loop3A_401] {strides = array<i32>} : memref<136x128xf32, #tpu.memory_space<vmem>>, vector<16xf32>,
          %parallel_loop3A_403 = arith.mulf %parallel_loop3A_402, %parallel_loop3A_365 : vector<16xf32>
          %parallel_loop3A_404 = arith.addf %parallel_loop3A_386, %parallel_loop3A_403 : vector<16xf32>
          %parallel_loop3A_405 = arith.index_cast %parallel_loop3A_378 : i32 to index
          %parallel_loop3A_406 = arith.constant 96 : index
          %parallel_loop3A_407 = tpu.vector_load %arg11[%parallel_loop3A_405, %parallel_loop3A_406] {strides = array<i32>} : memref<136x128xf32, #tpu.memory_space<vmem>>, vector<16xf32>,
          %parallel_loop3A_408 = arith.mulf %parallel_loop3A_407, %parallel_loop3A_368 : vector<16xf32>
          %parallel_loop3A_409 = arith.addf %parallel_loop3A_390, %parallel_loop3A_408 : vector<16xf32>
          %parallel_loop3A_410 = arith.index_cast %parallel_loop3A_378 : i32 to index
          %parallel_loop3A_411 = arith.constant 112 : index
          %parallel_loop3A_412 = tpu.vector_load %arg11[%parallel_loop3A_410, %parallel_loop3A_411] {strides = array<i32>} : memref<136x128xf32, #tpu.memory_space<vmem>>, vector<16xf32>,
          %parallel_loop3A_413 = arith.mulf %parallel_loop3A_412, %parallel_loop3A_371 : vector<16xf32>
          %parallel_loop3A_414 = arith.addf %parallel_loop3A_394, %parallel_loop3A_413 : vector<16xf32>
          %parallel_loop3A_415 = arith.addf %parallel_loop3A_399, %parallel_loop3A_404 : vector<16xf32>
          %parallel_loop3A_416 = arith.addf %parallel_loop3A_409, %parallel_loop3A_414 : vector<16xf32>
          %parallel_loop3A_417 = arith.addf %parallel_loop3A_415, %parallel_loop3A_416 : vector<16xf32>
          %parallel_loop3A_418 = arith.index_cast %parallel_loop3A_378 : i32 to index
          %parallel_loop3A_419 = arith.constant 0 : index
          %parallel_loop3A_420 = tpu.vector_load %arg10[%parallel_loop3A_418, %parallel_loop3A_419] {strides = array<i32>} : memref<144x16xf32, #tpu.memory_space<vmem>>, vector<16xf32>,
          tpu.vector_store %arg10[%parallel_loop3A_418, %parallel_loop3A_419], %parallel_loop3A_417 {strides = array<i32>} : memref<144x16xf32, #tpu.memory_space<vmem>>, vector<16xf32>,
        } {sc.loop_unroll_factor = 2 : i64, sc.parallel_access}
      } {sc.loop_unroll_factor = 1 : i64, sc.parallel_access}
      %parallel_loop3A_65 = arith.constant 0 : i32
      %parallel_loop3A_66 = arith.constant 8 : i32
      %parallel_loop3A_67 = arith.constant 1 : i32
      scf.for %parallel_loop3A_347 = %parallel_loop3A_65 to %parallel_loop3A_66 step %parallel_loop3A_67  : i32 {
        %parallel_loop3A_348 = arith.constant 16 : i32
        %parallel_loop3A_349 = arith.muli %parallel_loop3A_347, %parallel_loop3A_348 : i32
        %parallel_loop3A_350 = vector.broadcast %parallel_loop3A_349 : i32 to vector<16xi32>
        %parallel_loop3A_351 = arith.addi %parallel_loop3A_350, %iota3A : vector<16xi32>
        %parallel_loop3A_352 = arith.constant 0 : i32
        %parallel_loop3A_353 = vector.broadcast %parallel_loop3A_352 : i32 to vector<16xi32>
        %parallel_loop3A_354 = tpu.vector_load_idx %arg10[%parallel_loop3A_351, %parallel_loop3A_353] : memref<144x16xf32, #tpu.memory_space<vmem>>[vector<16xi32>, vector<16xi32>], vector<16xf32>,
        %parallel_loop3A_355 = arith.constant 1 : i32
        %parallel_loop3A_356 = vector.broadcast %parallel_loop3A_355 : i32 to vector<16xi32>
        %parallel_loop3A_357 = tpu.vector_load_idx %arg10[%parallel_loop3A_351, %parallel_loop3A_356] : memref<144x16xf32, #tpu.memory_space<vmem>>[vector<16xi32>, vector<16xi32>], vector<16xf32>,
        %parallel_loop3A_358 = arith.addf %parallel_loop3A_354, %parallel_loop3A_357 : vector<16xf32>
        %parallel_loop3A_359 = arith.constant 2 : i32
        %parallel_loop3A_360 = vector.broadcast %parallel_loop3A_359 : i32 to vector<16xi32>
        %parallel_loop3A_361 = tpu.vector_load_idx %arg10[%parallel_loop3A_351, %parallel_loop3A_360] : memref<144x16xf32, #tpu.memory_space<vmem>>[vector<16xi32>, vector<16xi32>], vector<16xf32>,
        %parallel_loop3A_362 = arith.addf %parallel_loop3A_358, %parallel_loop3A_361 : vector<16xf32>
        %parallel_loop3A_363 = arith.constant 3 : i32
        %parallel_loop3A_364 = vector.broadcast %parallel_loop3A_363 : i32 to vector<16xi32>
        %parallel_loop3A_365 = tpu.vector_load_idx %arg10[%parallel_loop3A_351, %parallel_loop3A_364] : memref<144x16xf32, #tpu.memory_space<vmem>>[vector<16xi32>, vector<16xi32>], vector<16xf32>,
        %parallel_loop3A_366 = arith.addf %parallel_loop3A_362, %parallel_loop3A_365 : vector<16xf32>
        %parallel_loop3A_367 = arith.constant 4 : i32
        %parallel_loop3A_368 = vector.broadcast %parallel_loop3A_367 : i32 to vector<16xi32>
        %parallel_loop3A_369 = tpu.vector_load_idx %arg10[%parallel_loop3A_351, %parallel_loop3A_368] : memref<144x16xf32, #tpu.memory_space<vmem>>[vector<16xi32>, vector<16xi32>], vector<16xf32>,
        %parallel_loop3A_370 = arith.addf %parallel_loop3A_366, %parallel_loop3A_369 : vector<16xf32>
        %parallel_loop3A_371 = arith.constant 5 : i32
        %parallel_loop3A_372 = vector.broadcast %parallel_loop3A_371 : i32 to vector<16xi32>
        %parallel_loop3A_373 = tpu.vector_load_idx %arg10[%parallel_loop3A_351, %parallel_loop3A_372] : memref<144x16xf32, #tpu.memory_space<vmem>>[vector<16xi32>, vector<16xi32>], vector<16xf32>,
        %parallel_loop3A_374 = arith.addf %parallel_loop3A_370, %parallel_loop3A_373 : vector<16xf32>
        %parallel_loop3A_375 = arith.constant 6 : i32
        %parallel_loop3A_376 = vector.broadcast %parallel_loop3A_375 : i32 to vector<16xi32>
        %parallel_loop3A_377 = tpu.vector_load_idx %arg10[%parallel_loop3A_351, %parallel_loop3A_376] : memref<144x16xf32, #tpu.memory_space<vmem>>[vector<16xi32>, vector<16xi32>], vector<16xf32>,
        %parallel_loop3A_378 = arith.addf %parallel_loop3A_374, %parallel_loop3A_377 : vector<16xf32>
        %parallel_loop3A_379 = arith.constant 7 : i32
        %parallel_loop3A_380 = vector.broadcast %parallel_loop3A_379 : i32 to vector<16xi32>
        %parallel_loop3A_381 = tpu.vector_load_idx %arg10[%parallel_loop3A_351, %parallel_loop3A_380] : memref<144x16xf32, #tpu.memory_space<vmem>>[vector<16xi32>, vector<16xi32>], vector<16xf32>,
        %parallel_loop3A_382 = arith.addf %parallel_loop3A_378, %parallel_loop3A_381 : vector<16xf32>
        %parallel_loop3A_383 = arith.constant 8 : i32
        %parallel_loop3A_384 = vector.broadcast %parallel_loop3A_383 : i32 to vector<16xi32>
        %parallel_loop3A_385 = tpu.vector_load_idx %arg10[%parallel_loop3A_351, %parallel_loop3A_384] : memref<144x16xf32, #tpu.memory_space<vmem>>[vector<16xi32>, vector<16xi32>], vector<16xf32>,
        %parallel_loop3A_386 = arith.addf %parallel_loop3A_382, %parallel_loop3A_385 : vector<16xf32>
        %parallel_loop3A_387 = arith.constant 9 : i32
        %parallel_loop3A_388 = vector.broadcast %parallel_loop3A_387 : i32 to vector<16xi32>
        %parallel_loop3A_389 = tpu.vector_load_idx %arg10[%parallel_loop3A_351, %parallel_loop3A_388] : memref<144x16xf32, #tpu.memory_space<vmem>>[vector<16xi32>, vector<16xi32>], vector<16xf32>,
        %parallel_loop3A_390 = arith.addf %parallel_loop3A_386, %parallel_loop3A_389 : vector<16xf32>
        %parallel_loop3A_391 = arith.constant 10 : i32
        %parallel_loop3A_392 = vector.broadcast %parallel_loop3A_391 : i32 to vector<16xi32>
        %parallel_loop3A_393 = tpu.vector_load_idx %arg10[%parallel_loop3A_351, %parallel_loop3A_392] : memref<144x16xf32, #tpu.memory_space<vmem>>[vector<16xi32>, vector<16xi32>], vector<16xf32>,
        %parallel_loop3A_394 = arith.addf %parallel_loop3A_390, %parallel_loop3A_393 : vector<16xf32>
        %parallel_loop3A_395 = arith.constant 11 : i32
        %parallel_loop3A_396 = vector.broadcast %parallel_loop3A_395 : i32 to vector<16xi32>
        %parallel_loop3A_397 = tpu.vector_load_idx %arg10[%parallel_loop3A_351, %parallel_loop3A_396] : memref<144x16xf32, #tpu.memory_space<vmem>>[vector<16xi32>, vector<16xi32>], vector<16xf32>,
        %parallel_loop3A_398 = arith.addf %parallel_loop3A_394, %parallel_loop3A_397 : vector<16xf32>
        %parallel_loop3A_399 = arith.constant 12 : i32
        %parallel_loop3A_400 = vector.broadcast %parallel_loop3A_399 : i32 to vector<16xi32>
        %parallel_loop3A_401 = tpu.vector_load_idx %arg10[%parallel_loop3A_351, %parallel_loop3A_400] : memref<144x16xf32, #tpu.memory_space<vmem>>[vector<16xi32>, vector<16xi32>], vector<16xf32>,
        %parallel_loop3A_402 = arith.addf %parallel_loop3A_398, %parallel_loop3A_401 : vector<16xf32>
        %parallel_loop3A_403 = arith.constant 13 : i32
        %parallel_loop3A_404 = vector.broadcast %parallel_loop3A_403 : i32 to vector<16xi32>
        %parallel_loop3A_405 = tpu.vector_load_idx %arg10[%parallel_loop3A_351, %parallel_loop3A_404] : memref<144x16xf32, #tpu.memory_space<vmem>>[vector<16xi32>, vector<16xi32>], vector<16xf32>,
        %parallel_loop3A_406 = arith.addf %parallel_loop3A_402, %parallel_loop3A_405 : vector<16xf32>
        %parallel_loop3A_407 = arith.constant 14 : i32
        %parallel_loop3A_408 = vector.broadcast %parallel_loop3A_407 : i32 to vector<16xi32>
        %parallel_loop3A_409 = tpu.vector_load_idx %arg10[%parallel_loop3A_351, %parallel_loop3A_408] : memref<144x16xf32, #tpu.memory_space<vmem>>[vector<16xi32>, vector<16xi32>], vector<16xf32>,
        %parallel_loop3A_410 = arith.addf %parallel_loop3A_406, %parallel_loop3A_409 : vector<16xf32>
        %parallel_loop3A_411 = arith.constant 15 : i32
        %parallel_loop3A_412 = vector.broadcast %parallel_loop3A_411 : i32 to vector<16xi32>
        %parallel_loop3A_413 = tpu.vector_load_idx %arg10[%parallel_loop3A_351, %parallel_loop3A_412] : memref<144x16xf32, #tpu.memory_space<vmem>>[vector<16xi32>, vector<16xi32>], vector<16xf32>,
        %parallel_loop3A_414 = arith.addf %parallel_loop3A_410, %parallel_loop3A_413 : vector<16xf32>
        %parallel_loop3A_415 = arith.constant 136 : i32
        %parallel_loop3A_416 = arith.muli %add3A_50, %parallel_loop3A_415 : i32
        %parallel_loop3A_417 = arith.constant 16 : i32
        %parallel_loop3A_418 = arith.muli %parallel_loop3A_347, %parallel_loop3A_417 : i32
        %parallel_loop3A_419 = arith.addi %parallel_loop3A_416, %parallel_loop3A_418 : i32
        %parallel_loop3A_420 = vector.broadcast %parallel_loop3A_419 : i32 to vector<16xi32>
        %parallel_loop3A_421 = arith.addi %parallel_loop3A_420, %iota3A : vector<16xi32>
        %parallel_loop3A_422 = arith.constant 17 : i32
        %parallel_loop3A_423 = vector.broadcast %parallel_loop3A_422 : i32 to vector<16xi32>
        %parallel_loop3A_424 = arith.divsi %parallel_loop3A_421, %parallel_loop3A_423 : vector<16xi32>
        %parallel_loop3A_425 = arith.constant 0 : i32
        %parallel_loop3A_426 = vector.broadcast %parallel_loop3A_425 : i32 to vector<16xi32>
        %parallel_loop3A_427 = arith.cmpi sgt, %parallel_loop3A_421, %parallel_loop3A_426 : vector<16xi32>
        %parallel_loop3A_428 = arith.extui %parallel_loop3A_427 : vector<16xi1> to vector<16xi32>
        %parallel_loop3A_429 = arith.constant 0 : i32
        %parallel_loop3A_430 = vector.broadcast %parallel_loop3A_429 : i32 to vector<16xi32>
        %parallel_loop3A_431 = arith.cmpi slt, %parallel_loop3A_421, %parallel_loop3A_430 : vector<16xi32>
        %parallel_loop3A_432 = arith.extui %parallel_loop3A_431 : vector<16xi1> to vector<16xi32>
        %parallel_loop3A_433 = arith.subi %parallel_loop3A_428, %parallel_loop3A_432 : vector<16xi32>
        %parallel_loop3A_434 = arith.constant 0 : i32
        %parallel_loop3A_435 = arith.cmpi sgt, %parallel_loop3A_422, %parallel_loop3A_434 : i32
        %parallel_loop3A_436 = arith.extui %parallel_loop3A_435 : i1 to i32
        %parallel_loop3A_437 = arith.constant 0 : i32
        %parallel_loop3A_438 = arith.cmpi slt, %parallel_loop3A_422, %parallel_loop3A_437 : i32
        %parallel_loop3A_439 = arith.extui %parallel_loop3A_438 : i1 to i32
        %parallel_loop3A_440 = arith.subi %parallel_loop3A_436, %parallel_loop3A_439 : i32
        %parallel_loop3A_441 = vector.broadcast %parallel_loop3A_440 : i32 to vector<16xi32>
        %parallel_loop3A_442 = arith.cmpi ne, %parallel_loop3A_433, %parallel_loop3A_441 : vector<16xi32>
        %parallel_loop3A_443 = vector.broadcast %parallel_loop3A_422 : i32 to vector<16xi32>
        %parallel_loop3A_444 = arith.remsi %parallel_loop3A_421, %parallel_loop3A_443 : vector<16xi32>
        %parallel_loop3A_445 = arith.constant 0 : i32
        %parallel_loop3A_446 = vector.broadcast %parallel_loop3A_445 : i32 to vector<16xi32>
        %parallel_loop3A_447 = arith.cmpi ne, %parallel_loop3A_444, %parallel_loop3A_446 : vector<16xi32>
        %parallel_loop3A_448 = arith.andi %parallel_loop3A_442, %parallel_loop3A_447 : vector<16xi1>
        %parallel_loop3A_449 = arith.constant 1 : i32
        %parallel_loop3A_450 = vector.broadcast %parallel_loop3A_449 : i32 to vector<16xi32>
        %parallel_loop3A_451 = arith.subi %parallel_loop3A_424, %parallel_loop3A_450 : vector<16xi32>
        %parallel_loop3A_452 = arith.select %parallel_loop3A_448, %parallel_loop3A_451, %parallel_loop3A_424 : vector<16xi1>, vector<16xi32>
        %parallel_loop3A_453 = arith.constant 17 : i32
        %parallel_loop3A_454 = arith.constant 0 : i32
        %parallel_loop3A_455 = arith.cmpi eq, %parallel_loop3A_453, %parallel_loop3A_454 : i32
        %parallel_loop3A_456 = arith.constant 1 : i32
        %parallel_loop3A_457 = arith.select %parallel_loop3A_455, %parallel_loop3A_456, %parallel_loop3A_453 : i32
        %parallel_loop3A_458 = vector.broadcast %parallel_loop3A_457 : i32 to vector<16xi32>
        %parallel_loop3A_459 = arith.remsi %parallel_loop3A_421, %parallel_loop3A_458 : vector<16xi32>
        %parallel_loop3A_460 = arith.constant 0 : i32
        %parallel_loop3A_461 = vector.broadcast %parallel_loop3A_460 : i32 to vector<16xi32>
        %parallel_loop3A_462 = arith.cmpi ne, %parallel_loop3A_459, %parallel_loop3A_461 : vector<16xi32>
        %parallel_loop3A_463 = arith.constant 0 : i32
        %parallel_loop3A_464 = vector.broadcast %parallel_loop3A_463 : i32 to vector<16xi32>
        %parallel_loop3A_465 = arith.cmpi slt, %parallel_loop3A_459, %parallel_loop3A_464 : vector<16xi32>
        %parallel_loop3A_466 = arith.constant 0 : i32
        %parallel_loop3A_467 = arith.cmpi slt, %parallel_loop3A_457, %parallel_loop3A_466 : i32
        %parallel_loop3A_468 = vector.broadcast %parallel_loop3A_467 : i1 to vector<16xi1>
        %parallel_loop3A_469 = vector.broadcast %parallel_loop3A_468 : vector<16xi1> to vector<16xi1>
        %parallel_loop3A_470 = arith.xori %parallel_loop3A_465, %parallel_loop3A_469 : vector<16xi1>
        %parallel_loop3A_471 = arith.andi %parallel_loop3A_470, %parallel_loop3A_462 : vector<16xi1>
        %parallel_loop3A_472 = vector.broadcast %parallel_loop3A_457 : i32 to vector<16xi32>
        %parallel_loop3A_473 = arith.addi %parallel_loop3A_459, %parallel_loop3A_472 : vector<16xi32>
        %parallel_loop3A_474 = arith.select %parallel_loop3A_471, %parallel_loop3A_473, %parallel_loop3A_459 : vector<16xi1>, vector<16xi32>
        tpu.vector_store_idx %arg9[%parallel_loop3A_452, %parallel_loop3A_474], %parallel_loop3A_414 : memref<512x17xf32, #tpu.memory_space<vmem>>[vector<16xi32>, vector<16xi32>], vector<16xf32>,
      } {sc.loop_unroll_factor = 1 : i64, sc.parallel_access}
      %add3A_68 = arith.constant 128 : i32
      %add3A_69 = vector.broadcast %add3A_68 : i32 to vector<16xi32>
      %add3A_70 = arith.addi %add3A_69, %iota3A : vector<16xi32>
      %broadcast_in_dim3A = arith.constant 0 : i32
      %broadcast_in_dim3A_71 = vector.broadcast %broadcast_in_dim3A : i32 to vector<16xi32>
      %gather3A = tpu.vector_load_idx %arg10[%add3A_70, %broadcast_in_dim3A_71] : memref<144x16xf32, #tpu.memory_space<vmem>>[vector<16xi32>, vector<16xi32>], vector<16xf32>,
      %broadcast_in_dim3A_72 = arith.constant 1 : i32
      %broadcast_in_dim3A_73 = vector.broadcast %broadcast_in_dim3A_72 : i32 to vector<16xi32>
      %gather3A_74 = tpu.vector_load_idx %arg10[%add3A_70, %broadcast_in_dim3A_73] : memref<144x16xf32, #tpu.memory_space<vmem>>[vector<16xi32>, vector<16xi32>], vector<16xf32>,
      %add3A_75 = arith.addf %gather3A, %gather3A_74 : vector<16xf32>
      %broadcast_in_dim3A_76 = arith.constant 2 : i32
      %broadcast_in_dim3A_77 = vector.broadcast %broadcast_in_dim3A_76 : i32 to vector<16xi32>
      %gather3A_78 = tpu.vector_load_idx %arg10[%add3A_70, %broadcast_in_dim3A_77] : memref<144x16xf32, #tpu.memory_space<vmem>>[vector<16xi32>, vector<16xi32>], vector<16xf32>,
      %add3A_79 = arith.addf %add3A_75, %gather3A_78 : vector<16xf32>
      %broadcast_in_dim3A_80 = arith.constant 3 : i32
      %broadcast_in_dim3A_81 = vector.broadcast %broadcast_in_dim3A_80 : i32 to vector<16xi32>
      %gather3A_82 = tpu.vector_load_idx %arg10[%add3A_70, %broadcast_in_dim3A_81] : memref<144x16xf32, #tpu.memory_space<vmem>>[vector<16xi32>, vector<16xi32>], vector<16xf32>,
      %add3A_83 = arith.addf %add3A_79, %gather3A_82 : vector<16xf32>
      %broadcast_in_dim3A_84 = arith.constant 4 : i32
      %broadcast_in_dim3A_85 = vector.broadcast %broadcast_in_dim3A_84 : i32 to vector<16xi32>
      %gather3A_86 = tpu.vector_load_idx %arg10[%add3A_70, %broadcast_in_dim3A_85] : memref<144x16xf32, #tpu.memory_space<vmem>>[vector<16xi32>, vector<16xi32>], vector<16xf32>,
      %add3A_87 = arith.addf %add3A_83, %gather3A_86 : vector<16xf32>
      %broadcast_in_dim3A_88 = arith.constant 5 : i32
      %broadcast_in_dim3A_89 = vector.broadcast %broadcast_in_dim3A_88 : i32 to vector<16xi32>
      %gather3A_90 = tpu.vector_load_idx %arg10[%add3A_70, %broadcast_in_dim3A_89] : memref<144x16xf32, #tpu.memory_space<vmem>>[vector<16xi32>, vector<16xi32>], vector<16xf32>,
      %add3A_91 = arith.addf %add3A_87, %gather3A_90 : vector<16xf32>
      %broadcast_in_dim3A_92 = arith.constant 6 : i32
      %broadcast_in_dim3A_93 = vector.broadcast %broadcast_in_dim3A_92 : i32 to vector<16xi32>
      %gather3A_94 = tpu.vector_load_idx %arg10[%add3A_70, %broadcast_in_dim3A_93] : memref<144x16xf32, #tpu.memory_space<vmem>>[vector<16xi32>, vector<16xi32>], vector<16xf32>,
      %add3A_95 = arith.addf %add3A_91, %gather3A_94 : vector<16xf32>
      %broadcast_in_dim3A_96 = arith.constant 7 : i32
      %broadcast_in_dim3A_97 = vector.broadcast %broadcast_in_dim3A_96 : i32 to vector<16xi32>
      %gather3A_98 = tpu.vector_load_idx %arg10[%add3A_70, %broadcast_in_dim3A_97] : memref<144x16xf32, #tpu.memory_space<vmem>>[vector<16xi32>, vector<16xi32>], vector<16xf32>,
      %add3A_99 = arith.addf %add3A_95, %gather3A_98 : vector<16xf32>
      %broadcast_in_dim3A_100 = arith.constant 8 : i32
      %broadcast_in_dim3A_101 = vector.broadcast %broadcast_in_dim3A_100 : i32 to vector<16xi32>
      %gather3A_102 = tpu.vector_load_idx %arg10[%add3A_70, %broadcast_in_dim3A_101] : memref<144x16xf32, #tpu.memory_space<vmem>>[vector<16xi32>, vector<16xi32>], vector<16xf32>,
      %add3A_103 = arith.addf %add3A_99, %gather3A_102 : vector<16xf32>
      %broadcast_in_dim3A_104 = arith.constant 9 : i32
      %broadcast_in_dim3A_105 = vector.broadcast %broadcast_in_dim3A_104 : i32 to vector<16xi32>
      %gather3A_106 = tpu.vector_load_idx %arg10[%add3A_70, %broadcast_in_dim3A_105] : memref<144x16xf32, #tpu.memory_space<vmem>>[vector<16xi32>, vector<16xi32>], vector<16xf32>,
      %add3A_107 = arith.addf %add3A_103, %gather3A_106 : vector<16xf32>
      %broadcast_in_dim3A_108 = arith.constant 10 : i32
      %broadcast_in_dim3A_109 = vector.broadcast %broadcast_in_dim3A_108 : i32 to vector<16xi32>
      %gather3A_110 = tpu.vector_load_idx %arg10[%add3A_70, %broadcast_in_dim3A_109] : memref<144x16xf32, #tpu.memory_space<vmem>>[vector<16xi32>, vector<16xi32>], vector<16xf32>,
      %add3A_111 = arith.addf %add3A_107, %gather3A_110 : vector<16xf32>
      %broadcast_in_dim3A_112 = arith.constant 11 : i32
      %broadcast_in_dim3A_113 = vector.broadcast %broadcast_in_dim3A_112 : i32 to vector<16xi32>
      %gather3A_114 = tpu.vector_load_idx %arg10[%add3A_70, %broadcast_in_dim3A_113] : memref<144x16xf32, #tpu.memory_space<vmem>>[vector<16xi32>, vector<16xi32>], vector<16xf32>,
      %add3A_115 = arith.addf %add3A_111, %gather3A_114 : vector<16xf32>
      %broadcast_in_dim3A_116 = arith.constant 12 : i32
      %broadcast_in_dim3A_117 = vector.broadcast %broadcast_in_dim3A_116 : i32 to vector<16xi32>
      %gather3A_118 = tpu.vector_load_idx %arg10[%add3A_70, %broadcast_in_dim3A_117] : memref<144x16xf32, #tpu.memory_space<vmem>>[vector<16xi32>, vector<16xi32>], vector<16xf32>,
      %add3A_119 = arith.addf %add3A_115, %gather3A_118 : vector<16xf32>
      %broadcast_in_dim3A_120 = arith.constant 13 : i32
      %broadcast_in_dim3A_121 = vector.broadcast %broadcast_in_dim3A_120 : i32 to vector<16xi32>
      %gather3A_122 = tpu.vector_load_idx %arg10[%add3A_70, %broadcast_in_dim3A_121] : memref<144x16xf32, #tpu.memory_space<vmem>>[vector<16xi32>, vector<16xi32>], vector<16xf32>,
      %add3A_123 = arith.addf %add3A_119, %gather3A_122 : vector<16xf32>
      %broadcast_in_dim3A_124 = arith.constant 14 : i32
      %broadcast_in_dim3A_125 = vector.broadcast %broadcast_in_dim3A_124 : i32 to vector<16xi32>
      %gather3A_126 = tpu.vector_load_idx %arg10[%add3A_70, %broadcast_in_dim3A_125] : memref<144x16xf32, #tpu.memory_space<vmem>>[vector<16xi32>, vector<16xi32>], vector<16xf32>,
      %add3A_127 = arith.addf %add3A_123, %gather3A_126 : vector<16xf32>
      %broadcast_in_dim3A_128 = arith.constant 15 : i32
      %broadcast_in_dim3A_129 = vector.broadcast %broadcast_in_dim3A_128 : i32 to vector<16xi32>
      %gather3A_130 = tpu.vector_load_idx %arg10[%add3A_70, %broadcast_in_dim3A_129] : memref<144x16xf32, #tpu.memory_space<vmem>>[vector<16xi32>, vector<16xi32>], vector<16xf32>,
      %add3A_131 = arith.addf %add3A_127, %gather3A_130 : vector<16xf32>
      %mul3A_132 = arith.constant 136 : i32
      %mul3A_133 = arith.muli %add3A_50, %mul3A_132 : i32
      %add3A_134 = arith.constant 128 : i32
      %add3A_135 = arith.addi %mul3A_133, %add3A_134 : i32
      %add3A_136 = vector.broadcast %add3A_135 : i32 to vector<16xi32>
      %add3A_137 = arith.addi %add3A_136, %iota3A : vector<16xi32>
      %jit3A = arith.constant 17 : i32
      %div3A = vector.broadcast %jit3A : i32 to vector<16xi32>
      %div3A_138 = arith.divsi %add3A_137, %div3A : vector<16xi32>
      %sign3A = arith.constant 0 : i32
      %sign3A_139 = vector.broadcast %sign3A : i32 to vector<16xi32>
      %sign3A_140 = arith.cmpi sgt, %add3A_137, %sign3A_139 : vector<16xi32>
      %sign3A_141 = arith.extui %sign3A_140 : vector<16xi1> to vector<16xi32>
      %sign3A_142 = arith.constant 0 : i32
      %sign3A_143 = vector.broadcast %sign3A_142 : i32 to vector<16xi32>
      %sign3A_144 = arith.cmpi slt, %add3A_137, %sign3A_143 : vector<16xi32>
      %sign3A_145 = arith.extui %sign3A_144 : vector<16xi1> to vector<16xi32>
      %sign3A_146 = arith.subi %sign3A_141, %sign3A_145 : vector<16xi32>
      %sign3A_147 = arith.constant 0 : i32
      %sign3A_148 = arith.cmpi sgt, %jit3A, %sign3A_147 : i32
      %sign3A_149 = arith.extui %sign3A_148 : i1 to i32
      %sign3A_150 = arith.constant 0 : i32
      %sign3A_151 = arith.cmpi slt, %jit3A, %sign3A_150 : i32
      %sign3A_152 = arith.extui %sign3A_151 : i1 to i32
      %sign3A_153 = arith.subi %sign3A_149, %sign3A_152 : i32
      %ne3A = vector.broadcast %sign3A_153 : i32 to vector<16xi32>
      %ne3A_154 = arith.cmpi ne, %sign3A_146, %ne3A : vector<16xi32>
      %rem3A = vector.broadcast %jit3A : i32 to vector<16xi32>
      %rem3A_155 = arith.remsi %add3A_137, %rem3A : vector<16xi32>
      %ne3A_156 = arith.constant 0 : i32
      %ne3A_157 = vector.broadcast %ne3A_156 : i32 to vector<16xi32>
      %ne3A_158 = arith.cmpi ne, %rem3A_155, %ne3A_157 : vector<16xi32>
      %and3A = arith.andi %ne3A_154, %ne3A_158 : vector<16xi1>
      %sub3A = arith.constant 1 : i32
      %sub3A_159 = vector.broadcast %sub3A : i32 to vector<16xi32>
      %sub3A_160 = arith.subi %div3A_138, %sub3A_159 : vector<16xi32>
      %select_n3A = arith.select %and3A, %sub3A_160, %div3A_138 : vector<16xi1>, vector<16xi32>
      %jit3A_161 = arith.constant 17 : i32
      %eq3A = arith.constant 0 : i32
      %eq3A_162 = arith.cmpi eq, %jit3A_161, %eq3A : i32
      %jit3A_163 = arith.constant 1 : i32
      %select_n3A_164 = arith.select %eq3A_162, %jit3A_163, %jit3A_161 : i32
      %rem3A_165 = vector.broadcast %select_n3A_164 : i32 to vector<16xi32>
      %rem3A_166 = arith.remsi %add3A_137, %rem3A_165 : vector<16xi32>
      %ne3A_167 = arith.constant 0 : i32
      %ne3A_168 = vector.broadcast %ne3A_167 : i32 to vector<16xi32>
      %ne3A_169 = arith.cmpi ne, %rem3A_166, %ne3A_168 : vector<16xi32>
      %lt3A = arith.constant 0 : i32
      %lt3A_170 = vector.broadcast %lt3A : i32 to vector<16xi32>
      %lt3A_171 = arith.cmpi slt, %rem3A_166, %lt3A_170 : vector<16xi32>
      %lt3A_172 = arith.constant 0 : i32
      %lt3A_173 = arith.cmpi slt, %select_n3A_164, %lt3A_172 : i32
      %ne3A_174 = vector.broadcast %lt3A_173 : i1 to vector<16xi1>
      %ne3A_175 = vector.broadcast %ne3A_174 : vector<16xi1> to vector<16xi1>
      %ne3A_176 = arith.xori %lt3A_171, %ne3A_175 : vector<16xi1>
      %and3A_177 = arith.andi %ne3A_176, %ne3A_169 : vector<16xi1>
      %add3A_178 = vector.broadcast %select_n3A_164 : i32 to vector<16xi32>
      %add3A_179 = arith.addi %rem3A_166, %add3A_178 : vector<16xi32>
      %select_n3A_180 = arith.select %and3A_177, %add3A_179, %rem3A_166 : vector<16xi1>, vector<16xi32>
      %lt3A_181 = arith.constant 8 : i32
      %lt3A_182 = vector.broadcast %lt3A_181 : i32 to vector<16xi32>
      %lt3A_183 = arith.cmpi slt, %iota3A, %lt3A_182 : vector<16xi32>
      tpu.vector_store_idx %arg9[%select_n3A, %select_n3A_180], %add3A_131 masked %lt3A_183 : memref<512x17xf32, #tpu.memory_space<vmem>>[vector<16xi32>, vector<16xi32>], vector<16xf32>, vector<16xi1>
      %add3A_184 = arith.constant 2 : i32
      %add3A_185 = arith.addi %add3A_50, %add3A_184 : i32
      %lt3A_186 = arith.constant 64 : i32
      %lt3A_187 = arith.cmpi slt, %add3A_185, %lt3A_186 : i32
      %convert_element_type3A = arith.extui %lt3A_187 : i1 to i32
      %cond3A = arith.constant 0 : i32
      %cond3A_188 = arith.cmpi ne, %convert_element_type3A, %cond3A : i32
      scf.if %cond3A_188 {
        %add3A_347 = arith.constant 2 : i32
        %add3A_348 = arith.addi %add3A_50, %add3A_347 : i32
        %mul3A_349 = arith.constant 136 : i32
        %mul3A_350 = arith.muli %add3A_348, %mul3A_349 : i32
        %dma_start3A_351 = tpu.memref_slice %arg7[%mul3A_350] : memref<8704xi32, #tpu.memory_space<vmem>> -> memref<136xi32, #tpu.memory_space<vmem>>
        %dma_start3A_352 = arith.constant 0 : i32
        %dma_start3A_353 = arith.constant 0 : i32
        %dma_start3A_354 = tpu.memref_slice %arg4[%dma_start3A_352, %dma_start3A_353] : memref<1000000x128xf32, #tpu.memory_space<hbm>> -> memref<1000000x128xf32, #tpu.memory_space<hbm>>
        tpu.enqueue_indirect_dma source(%dma_start3A_354 : memref<1000000x128xf32, #tpu.memory_space<hbm>>) target(%arg11 : memref<136x128xf32, #tpu.memory_space<vmem>>) offsets(%dma_start3A_351 : memref<136xi32, #tpu.memory_space<vmem>>) semaphore(%arg15 : memref<!tpu.dma_semaphore, #tpu.memory_space<semaphore_mem>>)
        %mul3A_355 = arith.constant 8 : i32
        %mul3A_356 = arith.muli %add3A_348, %mul3A_355 : i32
        %add3A_357 = arith.addi %mul3A_2, %mul3A_356 : i32
        %dma_start3A_358 = arith.constant 0 : i32
        %dma_start3A_359 = tpu.memref_slice %arg3[%add3A_357, %dma_start3A_358] : memref<16384x128xf32, #tpu.memory_space<hbm>> -> memref<8x128xf32, #tpu.memory_space<hbm>>
        %dma_start3A_360 = arith.constant 0 : i32
        %dma_start3A_361 = tpu.memref_slice %arg3[%add3A_357, %dma_start3A_360] : memref<16384x128xf32, #tpu.memory_space<hbm>> -> memref<8x128xf32, #tpu.memory_space<hbm>>
        tpu.enqueue_dma source(%dma_start3A_361 : memref<8x128xf32, #tpu.memory_space<hbm>>) target(%arg13 : memref<8x128xf32, #tpu.memory_space<vmem>>) target_semaphore(%arg17 : memref<!tpu.dma_semaphore, #tpu.memory_space<semaphore_mem>>)
      } else {
      }
      %mul3A_189 = arith.constant 2 : i32
      %mul3A_190 = arith.muli %scan3A_45, %mul3A_189 : i32
      %add3A_191 = arith.constant 1 : i32
      %add3A_192 = arith.addi %mul3A_190, %add3A_191 : i32
      %dma_wait3A_193 = arith.constant 0 : i32
      %dma_wait3A_194 = arith.constant 0 : i32
      %dma_wait3A_195 = tpu.memref_slice %arg4[%dma_wait3A_193, %dma_wait3A_194] : memref<1000000x128xf32, #tpu.memory_space<hbm>> -> memref<136x128xf32, #tpu.memory_space<hbm>>
      %dma_wait3A_196 = arith.constant 0 : i32
      %dma_wait3A_197 = arith.constant 0 : i32
      %dma_wait3A_198 = tpu.memref_slice %arg4[%dma_wait3A_196, %dma_wait3A_197] : memref<1000000x128xf32, #tpu.memory_space<hbm>> -> memref<136x128xf32, #tpu.memory_space<hbm>>
      tpu.wait_dma2 semaphore(%arg16 : memref<!tpu.dma_semaphore, #tpu.memory_space<semaphore_mem>>) src(%dma_wait3A_198 : memref<136x128xf32, #tpu.memory_space<hbm>>) dst(%arg12 : memref<136x128xf32, #tpu.memory_space<vmem>>)
      %dma_wait3A_199 = arith.constant 0 : i32
      %dma_wait3A_200 = arith.constant 0 : i32
      %dma_wait3A_201 = tpu.memref_slice %arg3[%dma_wait3A_199, %dma_wait3A_200] : memref<16384x128xf32, #tpu.memory_space<hbm>> -> memref<8x128xf32, #tpu.memory_space<hbm>>
      %dma_wait3A_202 = arith.constant 0 : i32
      %dma_wait3A_203 = arith.constant 0 : i32
      %dma_wait3A_204 = tpu.memref_slice %arg3[%dma_wait3A_202, %dma_wait3A_203] : memref<16384x128xf32, #tpu.memory_space<hbm>> -> memref<8x128xf32, #tpu.memory_space<hbm>>
      tpu.wait_dma2 semaphore(%arg18 : memref<!tpu.dma_semaphore, #tpu.memory_space<semaphore_mem>>) src(%dma_wait3A_204 : memref<8x128xf32, #tpu.memory_space<hbm>>) dst(%arg14 : memref<8x128xf32, #tpu.memory_space<vmem>>)
      %parallel_loop3A_205 = arith.constant 0 : i32
      %parallel_loop3A_206 = arith.constant 8 : i32
      %parallel_loop3A_207 = arith.constant 1 : i32
      scf.for %parallel_loop3A_347 = %parallel_loop3A_205 to %parallel_loop3A_206 step %parallel_loop3A_207  : i32 {
        %parallel_loop3A_348 = arith.index_cast %parallel_loop3A_347 : i32 to index
        %parallel_loop3A_349 = arith.constant 0 : index
        %parallel_loop3A_350 = tpu.vector_load %arg14[%parallel_loop3A_348, %parallel_loop3A_349] {strides = array<i32>} : memref<8x128xf32, #tpu.memory_space<vmem>>, vector<16xf32>,
        %parallel_loop3A_351 = arith.index_cast %parallel_loop3A_347 : i32 to index
        %parallel_loop3A_352 = arith.constant 16 : index
        %parallel_loop3A_353 = tpu.vector_load %arg14[%parallel_loop3A_351, %parallel_loop3A_352] {strides = array<i32>} : memref<8x128xf32, #tpu.memory_space<vmem>>, vector<16xf32>,
        %parallel_loop3A_354 = arith.index_cast %parallel_loop3A_347 : i32 to index
        %parallel_loop3A_355 = arith.constant 32 : index
        %parallel_loop3A_356 = tpu.vector_load %arg14[%parallel_loop3A_354, %parallel_loop3A_355] {strides = array<i32>} : memref<8x128xf32, #tpu.memory_space<vmem>>, vector<16xf32>,
        %parallel_loop3A_357 = arith.index_cast %parallel_loop3A_347 : i32 to index
        %parallel_loop3A_358 = arith.constant 48 : index
        %parallel_loop3A_359 = tpu.vector_load %arg14[%parallel_loop3A_357, %parallel_loop3A_358] {strides = array<i32>} : memref<8x128xf32, #tpu.memory_space<vmem>>, vector<16xf32>,
        %parallel_loop3A_360 = arith.index_cast %parallel_loop3A_347 : i32 to index
        %parallel_loop3A_361 = arith.constant 64 : index
        %parallel_loop3A_362 = tpu.vector_load %arg14[%parallel_loop3A_360, %parallel_loop3A_361] {strides = array<i32>} : memref<8x128xf32, #tpu.memory_space<vmem>>, vector<16xf32>,
        %parallel_loop3A_363 = arith.index_cast %parallel_loop3A_347 : i32 to index
        %parallel_loop3A_364 = arith.constant 80 : index
        %parallel_loop3A_365 = tpu.vector_load %arg14[%parallel_loop3A_363, %parallel_loop3A_364] {strides = array<i32>} : memref<8x128xf32, #tpu.memory_space<vmem>>, vector<16xf32>,
        %parallel_loop3A_366 = arith.index_cast %parallel_loop3A_347 : i32 to index
        %parallel_loop3A_367 = arith.constant 96 : index
        %parallel_loop3A_368 = tpu.vector_load %arg14[%parallel_loop3A_366, %parallel_loop3A_367] {strides = array<i32>} : memref<8x128xf32, #tpu.memory_space<vmem>>, vector<16xf32>,
        %parallel_loop3A_369 = arith.index_cast %parallel_loop3A_347 : i32 to index
        %parallel_loop3A_370 = arith.constant 112 : index
        %parallel_loop3A_371 = tpu.vector_load %arg14[%parallel_loop3A_369, %parallel_loop3A_370] {strides = array<i32>} : memref<8x128xf32, #tpu.memory_space<vmem>>, vector<16xf32>,
        %parallel_loop3A_372 = arith.constant 0 : i32
        %parallel_loop3A_373 = arith.constant 17 : i32
        %parallel_loop3A_374 = arith.constant 1 : i32
        scf.for %parallel_loop3A_375 = %parallel_loop3A_372 to %parallel_loop3A_373 step %parallel_loop3A_374  : i32 {
          %parallel_loop3A_376 = arith.constant 17 : i32
          %parallel_loop3A_377 = arith.muli %parallel_loop3A_347, %parallel_loop3A_376 : i32
          %parallel_loop3A_378 = arith.addi %parallel_loop3A_377, %parallel_loop3A_375 : i32
          %parallel_loop3A_379 = arith.index_cast %parallel_loop3A_378 : i32 to index
          %parallel_loop3A_380 = arith.constant 0 : index
          %parallel_loop3A_381 = tpu.vector_load %arg12[%parallel_loop3A_379, %parallel_loop3A_380] {strides = array<i32>} : memref<136x128xf32, #tpu.memory_space<vmem>>, vector<16xf32>,
          %parallel_loop3A_382 = arith.mulf %parallel_loop3A_381, %parallel_loop3A_350 : vector<16xf32>
          %parallel_loop3A_383 = arith.index_cast %parallel_loop3A_378 : i32 to index
          %parallel_loop3A_384 = arith.constant 16 : index
          %parallel_loop3A_385 = tpu.vector_load %arg12[%parallel_loop3A_383, %parallel_loop3A_384] {strides = array<i32>} : memref<136x128xf32, #tpu.memory_space<vmem>>, vector<16xf32>,
          %parallel_loop3A_386 = arith.mulf %parallel_loop3A_385, %parallel_loop3A_353 : vector<16xf32>
          %parallel_loop3A_387 = arith.index_cast %parallel_loop3A_378 : i32 to index
          %parallel_loop3A_388 = arith.constant 32 : index
          %parallel_loop3A_389 = tpu.vector_load %arg12[%parallel_loop3A_387, %parallel_loop3A_388] {strides = array<i32>} : memref<136x128xf32, #tpu.memory_space<vmem>>, vector<16xf32>,
          %parallel_loop3A_390 = arith.mulf %parallel_loop3A_389, %parallel_loop3A_356 : vector<16xf32>
          %parallel_loop3A_391 = arith.index_cast %parallel_loop3A_378 : i32 to index
          %parallel_loop3A_392 = arith.constant 48 : index
          %parallel_loop3A_393 = tpu.vector_load %arg12[%parallel_loop3A_391, %parallel_loop3A_392] {strides = array<i32>} : memref<136x128xf32, #tpu.memory_space<vmem>>, vector<16xf32>,
          %parallel_loop3A_394 = arith.mulf %parallel_loop3A_393, %parallel_loop3A_359 : vector<16xf32>
          %parallel_loop3A_395 = arith.index_cast %parallel_loop3A_378 : i32 to index
          %parallel_loop3A_396 = arith.constant 64 : index
          %parallel_loop3A_397 = tpu.vector_load %arg12[%parallel_loop3A_395, %parallel_loop3A_396] {strides = array<i32>} : memref<136x128xf32, #tpu.memory_space<vmem>>, vector<16xf32>,
          %parallel_loop3A_398 = arith.mulf %parallel_loop3A_397, %parallel_loop3A_362 : vector<16xf32>
          %parallel_loop3A_399 = arith.addf %parallel_loop3A_382, %parallel_loop3A_398 : vector<16xf32>
          %parallel_loop3A_400 = arith.index_cast %parallel_loop3A_378 : i32 to index
          %parallel_loop3A_401 = arith.constant 80 : index
          %parallel_loop3A_402 = tpu.vector_load %arg12[%parallel_loop3A_400, %parallel_loop3A_401] {strides = array<i32>} : memref<136x128xf32, #tpu.memory_space<vmem>>, vector<16xf32>,
          %parallel_loop3A_403 = arith.mulf %parallel_loop3A_402, %parallel_loop3A_365 : vector<16xf32>
          %parallel_loop3A_404 = arith.addf %parallel_loop3A_386, %parallel_loop3A_403 : vector<16xf32>
          %parallel_loop3A_405 = arith.index_cast %parallel_loop3A_378 : i32 to index
          %parallel_loop3A_406 = arith.constant 96 : index
          %parallel_loop3A_407 = tpu.vector_load %arg12[%parallel_loop3A_405, %parallel_loop3A_406] {strides = array<i32>} : memref<136x128xf32, #tpu.memory_space<vmem>>, vector<16xf32>,
          %parallel_loop3A_408 = arith.mulf %parallel_loop3A_407, %parallel_loop3A_368 : vector<16xf32>
          %parallel_loop3A_409 = arith.addf %parallel_loop3A_390, %parallel_loop3A_408 : vector<16xf32>
          %parallel_loop3A_410 = arith.index_cast %parallel_loop3A_378 : i32 to index
          %parallel_loop3A_411 = arith.constant 112 : index
          %parallel_loop3A_412 = tpu.vector_load %arg12[%parallel_loop3A_410, %parallel_loop3A_411] {strides = array<i32>} : memref<136x128xf32, #tpu.memory_space<vmem>>, vector<16xf32>,
          %parallel_loop3A_413 = arith.mulf %parallel_loop3A_412, %parallel_loop3A_371 : vector<16xf32>
          %parallel_loop3A_414 = arith.addf %parallel_loop3A_394, %parallel_loop3A_413 : vector<16xf32>
          %parallel_loop3A_415 = arith.addf %parallel_loop3A_399, %parallel_loop3A_404 : vector<16xf32>
          %parallel_loop3A_416 = arith.addf %parallel_loop3A_409, %parallel_loop3A_414 : vector<16xf32>
          %parallel_loop3A_417 = arith.addf %parallel_loop3A_415, %parallel_loop3A_416 : vector<16xf32>
          %parallel_loop3A_418 = arith.index_cast %parallel_loop3A_378 : i32 to index
          %parallel_loop3A_419 = arith.constant 0 : index
          %parallel_loop3A_420 = tpu.vector_load %arg10[%parallel_loop3A_418, %parallel_loop3A_419] {strides = array<i32>} : memref<144x16xf32, #tpu.memory_space<vmem>>, vector<16xf32>,
          tpu.vector_store %arg10[%parallel_loop3A_418, %parallel_loop3A_419], %parallel_loop3A_417 {strides = array<i32>} : memref<144x16xf32, #tpu.memory_space<vmem>>, vector<16xf32>,
        } {sc.loop_unroll_factor = 2 : i64, sc.parallel_access}
      } {sc.loop_unroll_factor = 1 : i64, sc.parallel_access}
      %parallel_loop3A_208 = arith.constant 0 : i32
      %parallel_loop3A_209 = arith.constant 8 : i32
      %parallel_loop3A_210 = arith.constant 1 : i32
      scf.for %parallel_loop3A_347 = %parallel_loop3A_208 to %parallel_loop3A_209 step %parallel_loop3A_210  : i32 {
        %parallel_loop3A_348 = arith.constant 16 : i32
        %parallel_loop3A_349 = arith.muli %parallel_loop3A_347, %parallel_loop3A_348 : i32
        %parallel_loop3A_350 = vector.broadcast %parallel_loop3A_349 : i32 to vector<16xi32>
        %parallel_loop3A_351 = arith.addi %parallel_loop3A_350, %iota3A : vector<16xi32>
        %parallel_loop3A_352 = arith.constant 0 : i32
        %parallel_loop3A_353 = vector.broadcast %parallel_loop3A_352 : i32 to vector<16xi32>
        %parallel_loop3A_354 = tpu.vector_load_idx %arg10[%parallel_loop3A_351, %parallel_loop3A_353] : memref<144x16xf32, #tpu.memory_space<vmem>>[vector<16xi32>, vector<16xi32>], vector<16xf32>,
        %parallel_loop3A_355 = arith.constant 1 : i32
        %parallel_loop3A_356 = vector.broadcast %parallel_loop3A_355 : i32 to vector<16xi32>
        %parallel_loop3A_357 = tpu.vector_load_idx %arg10[%parallel_loop3A_351, %parallel_loop3A_356] : memref<144x16xf32, #tpu.memory_space<vmem>>[vector<16xi32>, vector<16xi32>], vector<16xf32>,
        %parallel_loop3A_358 = arith.addf %parallel_loop3A_354, %parallel_loop3A_357 : vector<16xf32>
        %parallel_loop3A_359 = arith.constant 2 : i32
        %parallel_loop3A_360 = vector.broadcast %parallel_loop3A_359 : i32 to vector<16xi32>
        %parallel_loop3A_361 = tpu.vector_load_idx %arg10[%parallel_loop3A_351, %parallel_loop3A_360] : memref<144x16xf32, #tpu.memory_space<vmem>>[vector<16xi32>, vector<16xi32>], vector<16xf32>,
        %parallel_loop3A_362 = arith.addf %parallel_loop3A_358, %parallel_loop3A_361 : vector<16xf32>
        %parallel_loop3A_363 = arith.constant 3 : i32
        %parallel_loop3A_364 = vector.broadcast %parallel_loop3A_363 : i32 to vector<16xi32>
        %parallel_loop3A_365 = tpu.vector_load_idx %arg10[%parallel_loop3A_351, %parallel_loop3A_364] : memref<144x16xf32, #tpu.memory_space<vmem>>[vector<16xi32>, vector<16xi32>], vector<16xf32>,
        %parallel_loop3A_366 = arith.addf %parallel_loop3A_362, %parallel_loop3A_365 : vector<16xf32>
        %parallel_loop3A_367 = arith.constant 4 : i32
        %parallel_loop3A_368 = vector.broadcast %parallel_loop3A_367 : i32 to vector<16xi32>
        %parallel_loop3A_369 = tpu.vector_load_idx %arg10[%parallel_loop3A_351, %parallel_loop3A_368] : memref<144x16xf32, #tpu.memory_space<vmem>>[vector<16xi32>, vector<16xi32>], vector<16xf32>,
        %parallel_loop3A_370 = arith.addf %parallel_loop3A_366, %parallel_loop3A_369 : vector<16xf32>
        %parallel_loop3A_371 = arith.constant 5 : i32
        %parallel_loop3A_372 = vector.broadcast %parallel_loop3A_371 : i32 to vector<16xi32>
        %parallel_loop3A_373 = tpu.vector_load_idx %arg10[%parallel_loop3A_351, %parallel_loop3A_372] : memref<144x16xf32, #tpu.memory_space<vmem>>[vector<16xi32>, vector<16xi32>], vector<16xf32>,
        %parallel_loop3A_374 = arith.addf %parallel_loop3A_370, %parallel_loop3A_373 : vector<16xf32>
        %parallel_loop3A_375 = arith.constant 6 : i32
        %parallel_loop3A_376 = vector.broadcast %parallel_loop3A_375 : i32 to vector<16xi32>
        %parallel_loop3A_377 = tpu.vector_load_idx %arg10[%parallel_loop3A_351, %parallel_loop3A_376] : memref<144x16xf32, #tpu.memory_space<vmem>>[vector<16xi32>, vector<16xi32>], vector<16xf32>,
        %parallel_loop3A_378 = arith.addf %parallel_loop3A_374, %parallel_loop3A_377 : vector<16xf32>
        %parallel_loop3A_379 = arith.constant 7 : i32
        %parallel_loop3A_380 = vector.broadcast %parallel_loop3A_379 : i32 to vector<16xi32>
        %parallel_loop3A_381 = tpu.vector_load_idx %arg10[%parallel_loop3A_351, %parallel_loop3A_380] : memref<144x16xf32, #tpu.memory_space<vmem>>[vector<16xi32>, vector<16xi32>], vector<16xf32>,
        %parallel_loop3A_382 = arith.addf %parallel_loop3A_378, %parallel_loop3A_381 : vector<16xf32>
        %parallel_loop3A_383 = arith.constant 8 : i32
        %parallel_loop3A_384 = vector.broadcast %parallel_loop3A_383 : i32 to vector<16xi32>
        %parallel_loop3A_385 = tpu.vector_load_idx %arg10[%parallel_loop3A_351, %parallel_loop3A_384] : memref<144x16xf32, #tpu.memory_space<vmem>>[vector<16xi32>, vector<16xi32>], vector<16xf32>,
        %parallel_loop3A_386 = arith.addf %parallel_loop3A_382, %parallel_loop3A_385 : vector<16xf32>
        %parallel_loop3A_387 = arith.constant 9 : i32
        %parallel_loop3A_388 = vector.broadcast %parallel_loop3A_387 : i32 to vector<16xi32>
        %parallel_loop3A_389 = tpu.vector_load_idx %arg10[%parallel_loop3A_351, %parallel_loop3A_388] : memref<144x16xf32, #tpu.memory_space<vmem>>[vector<16xi32>, vector<16xi32>], vector<16xf32>,
        %parallel_loop3A_390 = arith.addf %parallel_loop3A_386, %parallel_loop3A_389 : vector<16xf32>
        %parallel_loop3A_391 = arith.constant 10 : i32
        %parallel_loop3A_392 = vector.broadcast %parallel_loop3A_391 : i32 to vector<16xi32>
        %parallel_loop3A_393 = tpu.vector_load_idx %arg10[%parallel_loop3A_351, %parallel_loop3A_392] : memref<144x16xf32, #tpu.memory_space<vmem>>[vector<16xi32>, vector<16xi32>], vector<16xf32>,
        %parallel_loop3A_394 = arith.addf %parallel_loop3A_390, %parallel_loop3A_393 : vector<16xf32>
        %parallel_loop3A_395 = arith.constant 11 : i32
        %parallel_loop3A_396 = vector.broadcast %parallel_loop3A_395 : i32 to vector<16xi32>
        %parallel_loop3A_397 = tpu.vector_load_idx %arg10[%parallel_loop3A_351, %parallel_loop3A_396] : memref<144x16xf32, #tpu.memory_space<vmem>>[vector<16xi32>, vector<16xi32>], vector<16xf32>,
        %parallel_loop3A_398 = arith.addf %parallel_loop3A_394, %parallel_loop3A_397 : vector<16xf32>
        %parallel_loop3A_399 = arith.constant 12 : i32
        %parallel_loop3A_400 = vector.broadcast %parallel_loop3A_399 : i32 to vector<16xi32>
        %parallel_loop3A_401 = tpu.vector_load_idx %arg10[%parallel_loop3A_351, %parallel_loop3A_400] : memref<144x16xf32, #tpu.memory_space<vmem>>[vector<16xi32>, vector<16xi32>], vector<16xf32>,
        %parallel_loop3A_402 = arith.addf %parallel_loop3A_398, %parallel_loop3A_401 : vector<16xf32>
        %parallel_loop3A_403 = arith.constant 13 : i32
        %parallel_loop3A_404 = vector.broadcast %parallel_loop3A_403 : i32 to vector<16xi32>
        %parallel_loop3A_405 = tpu.vector_load_idx %arg10[%parallel_loop3A_351, %parallel_loop3A_404] : memref<144x16xf32, #tpu.memory_space<vmem>>[vector<16xi32>, vector<16xi32>], vector<16xf32>,
        %parallel_loop3A_406 = arith.addf %parallel_loop3A_402, %parallel_loop3A_405 : vector<16xf32>
        %parallel_loop3A_407 = arith.constant 14 : i32
        %parallel_loop3A_408 = vector.broadcast %parallel_loop3A_407 : i32 to vector<16xi32>
        %parallel_loop3A_409 = tpu.vector_load_idx %arg10[%parallel_loop3A_351, %parallel_loop3A_408] : memref<144x16xf32, #tpu.memory_space<vmem>>[vector<16xi32>, vector<16xi32>], vector<16xf32>,
        %parallel_loop3A_410 = arith.addf %parallel_loop3A_406, %parallel_loop3A_409 : vector<16xf32>
        %parallel_loop3A_411 = arith.constant 15 : i32
        %parallel_loop3A_412 = vector.broadcast %parallel_loop3A_411 : i32 to vector<16xi32>
        %parallel_loop3A_413 = tpu.vector_load_idx %arg10[%parallel_loop3A_351, %parallel_loop3A_412] : memref<144x16xf32, #tpu.memory_space<vmem>>[vector<16xi32>, vector<16xi32>], vector<16xf32>,
        %parallel_loop3A_414 = arith.addf %parallel_loop3A_410, %parallel_loop3A_413 : vector<16xf32>
        %parallel_loop3A_415 = arith.constant 136 : i32
        %parallel_loop3A_416 = arith.muli %add3A_192, %parallel_loop3A_415 : i32
        %parallel_loop3A_417 = arith.constant 16 : i32
        %parallel_loop3A_418 = arith.muli %parallel_loop3A_347, %parallel_loop3A_417 : i32
        %parallel_loop3A_419 = arith.addi %parallel_loop3A_416, %parallel_loop3A_418 : i32
        %parallel_loop3A_420 = vector.broadcast %parallel_loop3A_419 : i32 to vector<16xi32>
        %parallel_loop3A_421 = arith.addi %parallel_loop3A_420, %iota3A : vector<16xi32>
        %parallel_loop3A_422 = arith.constant 17 : i32
        %parallel_loop3A_423 = vector.broadcast %parallel_loop3A_422 : i32 to vector<16xi32>
        %parallel_loop3A_424 = arith.divsi %parallel_loop3A_421, %parallel_loop3A_423 : vector<16xi32>
        %parallel_loop3A_425 = arith.constant 0 : i32
        %parallel_loop3A_426 = vector.broadcast %parallel_loop3A_425 : i32 to vector<16xi32>
        %parallel_loop3A_427 = arith.cmpi sgt, %parallel_loop3A_421, %parallel_loop3A_426 : vector<16xi32>
        %parallel_loop3A_428 = arith.extui %parallel_loop3A_427 : vector<16xi1> to vector<16xi32>
        %parallel_loop3A_429 = arith.constant 0 : i32
        %parallel_loop3A_430 = vector.broadcast %parallel_loop3A_429 : i32 to vector<16xi32>
        %parallel_loop3A_431 = arith.cmpi slt, %parallel_loop3A_421, %parallel_loop3A_430 : vector<16xi32>
        %parallel_loop3A_432 = arith.extui %parallel_loop3A_431 : vector<16xi1> to vector<16xi32>
        %parallel_loop3A_433 = arith.subi %parallel_loop3A_428, %parallel_loop3A_432 : vector<16xi32>
        %parallel_loop3A_434 = arith.constant 0 : i32
        %parallel_loop3A_435 = arith.cmpi sgt, %parallel_loop3A_422, %parallel_loop3A_434 : i32
        %parallel_loop3A_436 = arith.extui %parallel_loop3A_435 : i1 to i32
        %parallel_loop3A_437 = arith.constant 0 : i32
        %parallel_loop3A_438 = arith.cmpi slt, %parallel_loop3A_422, %parallel_loop3A_437 : i32
        %parallel_loop3A_439 = arith.extui %parallel_loop3A_438 : i1 to i32
        %parallel_loop3A_440 = arith.subi %parallel_loop3A_436, %parallel_loop3A_439 : i32
        %parallel_loop3A_441 = vector.broadcast %parallel_loop3A_440 : i32 to vector<16xi32>
        %parallel_loop3A_442 = arith.cmpi ne, %parallel_loop3A_433, %parallel_loop3A_441 : vector<16xi32>
        %parallel_loop3A_443 = vector.broadcast %parallel_loop3A_422 : i32 to vector<16xi32>
        %parallel_loop3A_444 = arith.remsi %parallel_loop3A_421, %parallel_loop3A_443 : vector<16xi32>
        %parallel_loop3A_445 = arith.constant 0 : i32
        %parallel_loop3A_446 = vector.broadcast %parallel_loop3A_445 : i32 to vector<16xi32>
        %parallel_loop3A_447 = arith.cmpi ne, %parallel_loop3A_444, %parallel_loop3A_446 : vector<16xi32>
        %parallel_loop3A_448 = arith.andi %parallel_loop3A_442, %parallel_loop3A_447 : vector<16xi1>
        %parallel_loop3A_449 = arith.constant 1 : i32
        %parallel_loop3A_450 = vector.broadcast %parallel_loop3A_449 : i32 to vector<16xi32>
        %parallel_loop3A_451 = arith.subi %parallel_loop3A_424, %parallel_loop3A_450 : vector<16xi32>
        %parallel_loop3A_452 = arith.select %parallel_loop3A_448, %parallel_loop3A_451, %parallel_loop3A_424 : vector<16xi1>, vector<16xi32>
        %parallel_loop3A_453 = arith.constant 17 : i32
        %parallel_loop3A_454 = arith.constant 0 : i32
        %parallel_loop3A_455 = arith.cmpi eq, %parallel_loop3A_453, %parallel_loop3A_454 : i32
        %parallel_loop3A_456 = arith.constant 1 : i32
        %parallel_loop3A_457 = arith.select %parallel_loop3A_455, %parallel_loop3A_456, %parallel_loop3A_453 : i32
        %parallel_loop3A_458 = vector.broadcast %parallel_loop3A_457 : i32 to vector<16xi32>
        %parallel_loop3A_459 = arith.remsi %parallel_loop3A_421, %parallel_loop3A_458 : vector<16xi32>
        %parallel_loop3A_460 = arith.constant 0 : i32
        %parallel_loop3A_461 = vector.broadcast %parallel_loop3A_460 : i32 to vector<16xi32>
        %parallel_loop3A_462 = arith.cmpi ne, %parallel_loop3A_459, %parallel_loop3A_461 : vector<16xi32>
        %parallel_loop3A_463 = arith.constant 0 : i32
        %parallel_loop3A_464 = vector.broadcast %parallel_loop3A_463 : i32 to vector<16xi32>
        %parallel_loop3A_465 = arith.cmpi slt, %parallel_loop3A_459, %parallel_loop3A_464 : vector<16xi32>
        %parallel_loop3A_466 = arith.constant 0 : i32
        %parallel_loop3A_467 = arith.cmpi slt, %parallel_loop3A_457, %parallel_loop3A_466 : i32
        %parallel_loop3A_468 = vector.broadcast %parallel_loop3A_467 : i1 to vector<16xi1>
        %parallel_loop3A_469 = vector.broadcast %parallel_loop3A_468 : vector<16xi1> to vector<16xi1>
        %parallel_loop3A_470 = arith.xori %parallel_loop3A_465, %parallel_loop3A_469 : vector<16xi1>
        %parallel_loop3A_471 = arith.andi %parallel_loop3A_470, %parallel_loop3A_462 : vector<16xi1>
        %parallel_loop3A_472 = vector.broadcast %parallel_loop3A_457 : i32 to vector<16xi32>
        %parallel_loop3A_473 = arith.addi %parallel_loop3A_459, %parallel_loop3A_472 : vector<16xi32>
        %parallel_loop3A_474 = arith.select %parallel_loop3A_471, %parallel_loop3A_473, %parallel_loop3A_459 : vector<16xi1>, vector<16xi32>
        tpu.vector_store_idx %arg9[%parallel_loop3A_452, %parallel_loop3A_474], %parallel_loop3A_414 : memref<512x17xf32, #tpu.memory_space<vmem>>[vector<16xi32>, vector<16xi32>], vector<16xf32>,
      } {sc.loop_unroll_factor = 1 : i64, sc.parallel_access}
      %add3A_211 = arith.constant 128 : i32
      %add3A_212 = vector.broadcast %add3A_211 : i32 to vector<16xi32>
      %add3A_213 = arith.addi %add3A_212, %iota3A : vector<16xi32>
      %broadcast_in_dim3A_214 = arith.constant 0 : i32
      %broadcast_in_dim3A_215 = vector.broadcast %broadcast_in_dim3A_214 : i32 to vector<16xi32>
      %gather3A_216 = tpu.vector_load_idx %arg10[%add3A_213, %broadcast_in_dim3A_215] : memref<144x16xf32, #tpu.memory_space<vmem>>[vector<16xi32>, vector<16xi32>], vector<16xf32>,
      %broadcast_in_dim3A_217 = arith.constant 1 : i32
      %broadcast_in_dim3A_218 = vector.broadcast %broadcast_in_dim3A_217 : i32 to vector<16xi32>
      %gather3A_219 = tpu.vector_load_idx %arg10[%add3A_213, %broadcast_in_dim3A_218] : memref<144x16xf32, #tpu.memory_space<vmem>>[vector<16xi32>, vector<16xi32>], vector<16xf32>,
      %add3A_220 = arith.addf %gather3A_216, %gather3A_219 : vector<16xf32>
      %broadcast_in_dim3A_221 = arith.constant 2 : i32
      %broadcast_in_dim3A_222 = vector.broadcast %broadcast_in_dim3A_221 : i32 to vector<16xi32>
      %gather3A_223 = tpu.vector_load_idx %arg10[%add3A_213, %broadcast_in_dim3A_222] : memref<144x16xf32, #tpu.memory_space<vmem>>[vector<16xi32>, vector<16xi32>], vector<16xf32>,
      %add3A_224 = arith.addf %add3A_220, %gather3A_223 : vector<16xf32>
      %broadcast_in_dim3A_225 = arith.constant 3 : i32
      %broadcast_in_dim3A_226 = vector.broadcast %broadcast_in_dim3A_225 : i32 to vector<16xi32>
      %gather3A_227 = tpu.vector_load_idx %arg10[%add3A_213, %broadcast_in_dim3A_226] : memref<144x16xf32, #tpu.memory_space<vmem>>[vector<16xi32>, vector<16xi32>], vector<16xf32>,
      %add3A_228 = arith.addf %add3A_224, %gather3A_227 : vector<16xf32>
      %broadcast_in_dim3A_229 = arith.constant 4 : i32
      %broadcast_in_dim3A_230 = vector.broadcast %broadcast_in_dim3A_229 : i32 to vector<16xi32>
      %gather3A_231 = tpu.vector_load_idx %arg10[%add3A_213, %broadcast_in_dim3A_230] : memref<144x16xf32, #tpu.memory_space<vmem>>[vector<16xi32>, vector<16xi32>], vector<16xf32>,
      %add3A_232 = arith.addf %add3A_228, %gather3A_231 : vector<16xf32>
      %broadcast_in_dim3A_233 = arith.constant 5 : i32
      %broadcast_in_dim3A_234 = vector.broadcast %broadcast_in_dim3A_233 : i32 to vector<16xi32>
      %gather3A_235 = tpu.vector_load_idx %arg10[%add3A_213, %broadcast_in_dim3A_234] : memref<144x16xf32, #tpu.memory_space<vmem>>[vector<16xi32>, vector<16xi32>], vector<16xf32>,
      %add3A_236 = arith.addf %add3A_232, %gather3A_235 : vector<16xf32>
      %broadcast_in_dim3A_237 = arith.constant 6 : i32
      %broadcast_in_dim3A_238 = vector.broadcast %broadcast_in_dim3A_237 : i32 to vector<16xi32>
      %gather3A_239 = tpu.vector_load_idx %arg10[%add3A_213, %broadcast_in_dim3A_238] : memref<144x16xf32, #tpu.memory_space<vmem>>[vector<16xi32>, vector<16xi32>], vector<16xf32>,
      %add3A_240 = arith.addf %add3A_236, %gather3A_239 : vector<16xf32>
      %broadcast_in_dim3A_241 = arith.constant 7 : i32
      %broadcast_in_dim3A_242 = vector.broadcast %broadcast_in_dim3A_241 : i32 to vector<16xi32>
      %gather3A_243 = tpu.vector_load_idx %arg10[%add3A_213, %broadcast_in_dim3A_242] : memref<144x16xf32, #tpu.memory_space<vmem>>[vector<16xi32>, vector<16xi32>], vector<16xf32>,
      %add3A_244 = arith.addf %add3A_240, %gather3A_243 : vector<16xf32>
      %broadcast_in_dim3A_245 = arith.constant 8 : i32
      %broadcast_in_dim3A_246 = vector.broadcast %broadcast_in_dim3A_245 : i32 to vector<16xi32>
      %gather3A_247 = tpu.vector_load_idx %arg10[%add3A_213, %broadcast_in_dim3A_246] : memref<144x16xf32, #tpu.memory_space<vmem>>[vector<16xi32>, vector<16xi32>], vector<16xf32>,
      %add3A_248 = arith.addf %add3A_244, %gather3A_247 : vector<16xf32>
      %broadcast_in_dim3A_249 = arith.constant 9 : i32
      %broadcast_in_dim3A_250 = vector.broadcast %broadcast_in_dim3A_249 : i32 to vector<16xi32>
      %gather3A_251 = tpu.vector_load_idx %arg10[%add3A_213, %broadcast_in_dim3A_250] : memref<144x16xf32, #tpu.memory_space<vmem>>[vector<16xi32>, vector<16xi32>], vector<16xf32>,
      %add3A_252 = arith.addf %add3A_248, %gather3A_251 : vector<16xf32>
      %broadcast_in_dim3A_253 = arith.constant 10 : i32
      %broadcast_in_dim3A_254 = vector.broadcast %broadcast_in_dim3A_253 : i32 to vector<16xi32>
      %gather3A_255 = tpu.vector_load_idx %arg10[%add3A_213, %broadcast_in_dim3A_254] : memref<144x16xf32, #tpu.memory_space<vmem>>[vector<16xi32>, vector<16xi32>], vector<16xf32>,
      %add3A_256 = arith.addf %add3A_252, %gather3A_255 : vector<16xf32>
      %broadcast_in_dim3A_257 = arith.constant 11 : i32
      %broadcast_in_dim3A_258 = vector.broadcast %broadcast_in_dim3A_257 : i32 to vector<16xi32>
      %gather3A_259 = tpu.vector_load_idx %arg10[%add3A_213, %broadcast_in_dim3A_258] : memref<144x16xf32, #tpu.memory_space<vmem>>[vector<16xi32>, vector<16xi32>], vector<16xf32>,
      %add3A_260 = arith.addf %add3A_256, %gather3A_259 : vector<16xf32>
      %broadcast_in_dim3A_261 = arith.constant 12 : i32
      %broadcast_in_dim3A_262 = vector.broadcast %broadcast_in_dim3A_261 : i32 to vector<16xi32>
      %gather3A_263 = tpu.vector_load_idx %arg10[%add3A_213, %broadcast_in_dim3A_262] : memref<144x16xf32, #tpu.memory_space<vmem>>[vector<16xi32>, vector<16xi32>], vector<16xf32>,
      %add3A_264 = arith.addf %add3A_260, %gather3A_263 : vector<16xf32>
      %broadcast_in_dim3A_265 = arith.constant 13 : i32
      %broadcast_in_dim3A_266 = vector.broadcast %broadcast_in_dim3A_265 : i32 to vector<16xi32>
      %gather3A_267 = tpu.vector_load_idx %arg10[%add3A_213, %broadcast_in_dim3A_266] : memref<144x16xf32, #tpu.memory_space<vmem>>[vector<16xi32>, vector<16xi32>], vector<16xf32>,
      %add3A_268 = arith.addf %add3A_264, %gather3A_267 : vector<16xf32>
      %broadcast_in_dim3A_269 = arith.constant 14 : i32
      %broadcast_in_dim3A_270 = vector.broadcast %broadcast_in_dim3A_269 : i32 to vector<16xi32>
      %gather3A_271 = tpu.vector_load_idx %arg10[%add3A_213, %broadcast_in_dim3A_270] : memref<144x16xf32, #tpu.memory_space<vmem>>[vector<16xi32>, vector<16xi32>], vector<16xf32>,
      %add3A_272 = arith.addf %add3A_268, %gather3A_271 : vector<16xf32>
      %broadcast_in_dim3A_273 = arith.constant 15 : i32
      %broadcast_in_dim3A_274 = vector.broadcast %broadcast_in_dim3A_273 : i32 to vector<16xi32>
      %gather3A_275 = tpu.vector_load_idx %arg10[%add3A_213, %broadcast_in_dim3A_274] : memref<144x16xf32, #tpu.memory_space<vmem>>[vector<16xi32>, vector<16xi32>], vector<16xf32>,
      %add3A_276 = arith.addf %add3A_272, %gather3A_275 : vector<16xf32>
      %mul3A_277 = arith.constant 136 : i32
      %mul3A_278 = arith.muli %add3A_192, %mul3A_277 : i32
      %add3A_279 = arith.constant 128 : i32
      %add3A_280 = arith.addi %mul3A_278, %add3A_279 : i32
      %add3A_281 = vector.broadcast %add3A_280 : i32 to vector<16xi32>
      %add3A_282 = arith.addi %add3A_281, %iota3A : vector<16xi32>
      %jit3A_283 = arith.constant 17 : i32
      %div3A_284 = vector.broadcast %jit3A_283 : i32 to vector<16xi32>
      %div3A_285 = arith.divsi %add3A_282, %div3A_284 : vector<16xi32>
      %sign3A_286 = arith.constant 0 : i32
      %sign3A_287 = vector.broadcast %sign3A_286 : i32 to vector<16xi32>
      %sign3A_288 = arith.cmpi sgt, %add3A_282, %sign3A_287 : vector<16xi32>
      %sign3A_289 = arith.extui %sign3A_288 : vector<16xi1> to vector<16xi32>
      %sign3A_290 = arith.constant 0 : i32
      %sign3A_291 = vector.broadcast %sign3A_290 : i32 to vector<16xi32>
      %sign3A_292 = arith.cmpi slt, %add3A_282, %sign3A_291 : vector<16xi32>
      %sign3A_293 = arith.extui %sign3A_292 : vector<16xi1> to vector<16xi32>
      %sign3A_294 = arith.subi %sign3A_289, %sign3A_293 : vector<16xi32>
      %sign3A_295 = arith.constant 0 : i32
      %sign3A_296 = arith.cmpi sgt, %jit3A_283, %sign3A_295 : i32
      %sign3A_297 = arith.extui %sign3A_296 : i1 to i32
      %sign3A_298 = arith.constant 0 : i32
      %sign3A_299 = arith.cmpi slt, %jit3A_283, %sign3A_298 : i32
      %sign3A_300 = arith.extui %sign3A_299 : i1 to i32
      %sign3A_301 = arith.subi %sign3A_297, %sign3A_300 : i32
      %ne3A_302 = vector.broadcast %sign3A_301 : i32 to vector<16xi32>
      %ne3A_303 = arith.cmpi ne, %sign3A_294, %ne3A_302 : vector<16xi32>
      %rem3A_304 = vector.broadcast %jit3A_283 : i32 to vector<16xi32>
      %rem3A_305 = arith.remsi %add3A_282, %rem3A_304 : vector<16xi32>
      %ne3A_306 = arith.constant 0 : i32
      %ne3A_307 = vector.broadcast %ne3A_306 : i32 to vector<16xi32>
      %ne3A_308 = arith.cmpi ne, %rem3A_305, %ne3A_307 : vector<16xi32>
      %and3A_309 = arith.andi %ne3A_303, %ne3A_308 : vector<16xi1>
      %sub3A_310 = arith.constant 1 : i32
      %sub3A_311 = vector.broadcast %sub3A_310 : i32 to vector<16xi32>
      %sub3A_312 = arith.subi %div3A_285, %sub3A_311 : vector<16xi32>
      %select_n3A_313 = arith.select %and3A_309, %sub3A_312, %div3A_285 : vector<16xi1>, vector<16xi32>
      %jit3A_314 = arith.constant 17 : i32
      %eq3A_315 = arith.constant 0 : i32
      %eq3A_316 = arith.cmpi eq, %jit3A_314, %eq3A_315 : i32
      %jit3A_317 = arith.constant 1 : i32
      %select_n3A_318 = arith.select %eq3A_316, %jit3A_317, %jit3A_314 : i32
      %rem3A_319 = vector.broadcast %select_n3A_318 : i32 to vector<16xi32>
      %rem3A_320 = arith.remsi %add3A_282, %rem3A_319 : vector<16xi32>
      %ne3A_321 = arith.constant 0 : i32
      %ne3A_322 = vector.broadcast %ne3A_321 : i32 to vector<16xi32>
      %ne3A_323 = arith.cmpi ne, %rem3A_320, %ne3A_322 : vector<16xi32>
      %lt3A_324 = arith.constant 0 : i32
      %lt3A_325 = vector.broadcast %lt3A_324 : i32 to vector<16xi32>
      %lt3A_326 = arith.cmpi slt, %rem3A_320, %lt3A_325 : vector<16xi32>
      %lt3A_327 = arith.constant 0 : i32
      %lt3A_328 = arith.cmpi slt, %select_n3A_318, %lt3A_327 : i32
      %ne3A_329 = vector.broadcast %lt3A_328 : i1 to vector<16xi1>
      %ne3A_330 = vector.broadcast %ne3A_329 : vector<16xi1> to vector<16xi1>
      %ne3A_331 = arith.xori %lt3A_326, %ne3A_330 : vector<16xi1>
      %and3A_332 = arith.andi %ne3A_331, %ne3A_323 : vector<16xi1>
      %add3A_333 = vector.broadcast %select_n3A_318 : i32 to vector<16xi32>
      %add3A_334 = arith.addi %rem3A_320, %add3A_333 : vector<16xi32>
      %select_n3A_335 = arith.select %and3A_332, %add3A_334, %rem3A_320 : vector<16xi1>, vector<16xi32>
      %lt3A_336 = arith.constant 8 : i32
      %lt3A_337 = vector.broadcast %lt3A_336 : i32 to vector<16xi32>
      %lt3A_338 = arith.cmpi slt, %iota3A, %lt3A_337 : vector<16xi32>
      tpu.vector_store_idx %arg9[%select_n3A_313, %select_n3A_335], %add3A_276 masked %lt3A_338 : memref<512x17xf32, #tpu.memory_space<vmem>>[vector<16xi32>, vector<16xi32>], vector<16xf32>, vector<16xi1>
      %add3A_339 = arith.constant 2 : i32
      %add3A_340 = arith.addi %add3A_192, %add3A_339 : i32
      %lt3A_341 = arith.constant 64 : i32
      %lt3A_342 = arith.cmpi slt, %add3A_340, %lt3A_341 : i32
      %convert_element_type3A_343 = arith.extui %lt3A_342 : i1 to i32
      %cond3A_344 = arith.constant 0 : i32
      %cond3A_345 = arith.cmpi ne, %convert_element_type3A_343, %cond3A_344 : i32
      scf.if %cond3A_345 {
        %add3A_347 = arith.constant 2 : i32
        %add3A_348 = arith.addi %add3A_192, %add3A_347 : i32
        %mul3A_349 = arith.constant 136 : i32
        %mul3A_350 = arith.muli %add3A_348, %mul3A_349 : i32
        %dma_start3A_351 = tpu.memref_slice %arg7[%mul3A_350] : memref<8704xi32, #tpu.memory_space<vmem>> -> memref<136xi32, #tpu.memory_space<vmem>>
        %dma_start3A_352 = arith.constant 0 : i32
        %dma_start3A_353 = arith.constant 0 : i32
        %dma_start3A_354 = tpu.memref_slice %arg4[%dma_start3A_352, %dma_start3A_353] : memref<1000000x128xf32, #tpu.memory_space<hbm>> -> memref<1000000x128xf32, #tpu.memory_space<hbm>>
        tpu.enqueue_indirect_dma source(%dma_start3A_354 : memref<1000000x128xf32, #tpu.memory_space<hbm>>) target(%arg12 : memref<136x128xf32, #tpu.memory_space<vmem>>) offsets(%dma_start3A_351 : memref<136xi32, #tpu.memory_space<vmem>>) semaphore(%arg16 : memref<!tpu.dma_semaphore, #tpu.memory_space<semaphore_mem>>)
        %mul3A_355 = arith.constant 8 : i32
        %mul3A_356 = arith.muli %add3A_348, %mul3A_355 : i32
        %add3A_357 = arith.addi %mul3A_2, %mul3A_356 : i32
        %dma_start3A_358 = arith.constant 0 : i32
        %dma_start3A_359 = tpu.memref_slice %arg3[%add3A_357, %dma_start3A_358] : memref<16384x128xf32, #tpu.memory_space<hbm>> -> memref<8x128xf32, #tpu.memory_space<hbm>>
        %dma_start3A_360 = arith.constant 0 : i32
        %dma_start3A_361 = tpu.memref_slice %arg3[%add3A_357, %dma_start3A_360] : memref<16384x128xf32, #tpu.memory_space<hbm>> -> memref<8x128xf32, #tpu.memory_space<hbm>>
        tpu.enqueue_dma source(%dma_start3A_361 : memref<8x128xf32, #tpu.memory_space<hbm>>) target(%arg14 : memref<8x128xf32, #tpu.memory_space<vmem>>) target_semaphore(%arg18 : memref<!tpu.dma_semaphore, #tpu.memory_space<semaphore_mem>>)
      } else {
      }
      %scan3A_346 = arith.constant 0 : i32
      scf.yield %scan3A_346 : i32
    }
    %scan3A_33 = arith.constant 32 : i32
    %dma_wait3A = arith.constant 0 : i32
    %dma_wait3A_34 = tpu.memref_slice %arg5[%dma_wait3A] : memref<1000000xf32, #tpu.memory_space<hbm>> -> memref<8704xf32, #tpu.memory_space<hbm>>
    %dma_wait3A_35 = arith.constant 0 : i32
    %dma_wait3A_36 = tpu.memref_slice %arg5[%dma_wait3A_35] : memref<1000000xf32, #tpu.memory_space<hbm>> -> memref<8704xf32, #tpu.memory_space<hbm>>
    tpu.wait_dma2 semaphore(%arg19 : memref<!tpu.dma_semaphore, #tpu.memory_space<semaphore_mem>>) src(%dma_wait3A_36 : memref<8704xf32, #tpu.memory_space<hbm>>) dst(%arg8 : memref<8704xf32, #tpu.memory_space<vmem>>)
    %iota3A_37 = tpu.iota {dimensions = array<i32: 0>} : vector<16xi32>
    %scan3A_38 = arith.constant 0 : i32
    %scan3A_39 = arith.constant 0 : i32
    %scan3A_40 = arith.constant 32 : i32
    %scan3A_41 = arith.addi %scan3A_39, %scan3A_40 : i32
    %scan3A_42 = arith.constant 1 : i32
    %scan3A_43 = scf.for %scan3A_45 = %scan3A_39 to %scan3A_41 step %scan3A_42 iter_args(%scan3A_46 = %scan3A_38) -> (i32)  : i32 {
      %mul3A_47 = arith.constant 16 : i32
      %mul3A_48 = arith.muli %scan3A_45, %mul3A_47 : i32
      %add3A_49 = vector.broadcast %mul3A_48 : i32 to vector<16xi32>
      %add3A_50 = arith.addi %add3A_49, %iota3A_37 : vector<16xi32>
      %mul3A_51 = arith.constant 17 : i32
      %mul3A_52 = vector.broadcast %mul3A_51 : i32 to vector<16xi32>
      %mul3A_53 = arith.muli %add3A_50, %mul3A_52 : vector<16xi32>
      %broadcast_in_dim3A = arith.constant 0 : i32
      %broadcast_in_dim3A_54 = vector.broadcast %broadcast_in_dim3A : i32 to vector<16xi32>
      %gather3A = tpu.vector_load_idx %arg9[%add3A_50, %broadcast_in_dim3A_54] : memref<512x17xf32, #tpu.memory_space<vmem>>[vector<16xi32>, vector<16xi32>], vector<16xf32>,
      %add3A_55 = arith.constant 0 : i32
      %add3A_56 = vector.broadcast %add3A_55 : i32 to vector<16xi32>
      %add3A_57 = arith.addi %mul3A_53, %add3A_56 : vector<16xi32>
      %gather3A_58 = tpu.vector_load_idx %arg8[%add3A_57] : memref<8704xf32, #tpu.memory_space<vmem>>[vector<16xi32>], vector<16xf32>,
      %add3A_59 = arith.addf %gather3A, %gather3A_58 : vector<16xf32>
      %broadcast_in_dim3A_60 = arith.constant 1 : i32
      %broadcast_in_dim3A_61 = vector.broadcast %broadcast_in_dim3A_60 : i32 to vector<16xi32>
      %gather3A_62 = tpu.vector_load_idx %arg9[%add3A_50, %broadcast_in_dim3A_61] : memref<512x17xf32, #tpu.memory_space<vmem>>[vector<16xi32>, vector<16xi32>], vector<16xf32>,
      %add3A_63 = arith.constant 1 : i32
      %add3A_64 = vector.broadcast %add3A_63 : i32 to vector<16xi32>
      %add3A_65 = arith.addi %mul3A_53, %add3A_64 : vector<16xi32>
      %gather3A_66 = tpu.vector_load_idx %arg8[%add3A_65] : memref<8704xf32, #tpu.memory_space<vmem>>[vector<16xi32>], vector<16xf32>,
      %add3A_67 = arith.addf %gather3A_62, %gather3A_66 : vector<16xf32>
      %broadcast_in_dim3A_68 = arith.constant 2 : i32
      %broadcast_in_dim3A_69 = vector.broadcast %broadcast_in_dim3A_68 : i32 to vector<16xi32>
      %gather3A_70 = tpu.vector_load_idx %arg9[%add3A_50, %broadcast_in_dim3A_69] : memref<512x17xf32, #tpu.memory_space<vmem>>[vector<16xi32>, vector<16xi32>], vector<16xf32>,
      %add3A_71 = arith.constant 2 : i32
      %add3A_72 = vector.broadcast %add3A_71 : i32 to vector<16xi32>
      %add3A_73 = arith.addi %mul3A_53, %add3A_72 : vector<16xi32>
      %gather3A_74 = tpu.vector_load_idx %arg8[%add3A_73] : memref<8704xf32, #tpu.memory_space<vmem>>[vector<16xi32>], vector<16xf32>,
      %add3A_75 = arith.addf %gather3A_70, %gather3A_74 : vector<16xf32>
      %broadcast_in_dim3A_76 = arith.constant 3 : i32
      %broadcast_in_dim3A_77 = vector.broadcast %broadcast_in_dim3A_76 : i32 to vector<16xi32>
      %gather3A_78 = tpu.vector_load_idx %arg9[%add3A_50, %broadcast_in_dim3A_77] : memref<512x17xf32, #tpu.memory_space<vmem>>[vector<16xi32>, vector<16xi32>], vector<16xf32>,
      %add3A_79 = arith.constant 3 : i32
      %add3A_80 = vector.broadcast %add3A_79 : i32 to vector<16xi32>
      %add3A_81 = arith.addi %mul3A_53, %add3A_80 : vector<16xi32>
      %gather3A_82 = tpu.vector_load_idx %arg8[%add3A_81] : memref<8704xf32, #tpu.memory_space<vmem>>[vector<16xi32>], vector<16xf32>,
      %add3A_83 = arith.addf %gather3A_78, %gather3A_82 : vector<16xf32>
      %broadcast_in_dim3A_84 = arith.constant 4 : i32
      %broadcast_in_dim3A_85 = vector.broadcast %broadcast_in_dim3A_84 : i32 to vector<16xi32>
      %gather3A_86 = tpu.vector_load_idx %arg9[%add3A_50, %broadcast_in_dim3A_85] : memref<512x17xf32, #tpu.memory_space<vmem>>[vector<16xi32>, vector<16xi32>], vector<16xf32>,
      %add3A_87 = arith.constant 4 : i32
      %add3A_88 = vector.broadcast %add3A_87 : i32 to vector<16xi32>
      %add3A_89 = arith.addi %mul3A_53, %add3A_88 : vector<16xi32>
      %gather3A_90 = tpu.vector_load_idx %arg8[%add3A_89] : memref<8704xf32, #tpu.memory_space<vmem>>[vector<16xi32>], vector<16xf32>,
      %add3A_91 = arith.addf %gather3A_86, %gather3A_90 : vector<16xf32>
      %broadcast_in_dim3A_92 = arith.constant 5 : i32
      %broadcast_in_dim3A_93 = vector.broadcast %broadcast_in_dim3A_92 : i32 to vector<16xi32>
      %gather3A_94 = tpu.vector_load_idx %arg9[%add3A_50, %broadcast_in_dim3A_93] : memref<512x17xf32, #tpu.memory_space<vmem>>[vector<16xi32>, vector<16xi32>], vector<16xf32>,
      %add3A_95 = arith.constant 5 : i32
      %add3A_96 = vector.broadcast %add3A_95 : i32 to vector<16xi32>
      %add3A_97 = arith.addi %mul3A_53, %add3A_96 : vector<16xi32>
      %gather3A_98 = tpu.vector_load_idx %arg8[%add3A_97] : memref<8704xf32, #tpu.memory_space<vmem>>[vector<16xi32>], vector<16xf32>,
      %add3A_99 = arith.addf %gather3A_94, %gather3A_98 : vector<16xf32>
      %broadcast_in_dim3A_100 = arith.constant 6 : i32
      %broadcast_in_dim3A_101 = vector.broadcast %broadcast_in_dim3A_100 : i32 to vector<16xi32>
      %gather3A_102 = tpu.vector_load_idx %arg9[%add3A_50, %broadcast_in_dim3A_101] : memref<512x17xf32, #tpu.memory_space<vmem>>[vector<16xi32>, vector<16xi32>], vector<16xf32>,
      %add3A_103 = arith.constant 6 : i32
      %add3A_104 = vector.broadcast %add3A_103 : i32 to vector<16xi32>
      %add3A_105 = arith.addi %mul3A_53, %add3A_104 : vector<16xi32>
      %gather3A_106 = tpu.vector_load_idx %arg8[%add3A_105] : memref<8704xf32, #tpu.memory_space<vmem>>[vector<16xi32>], vector<16xf32>,
      %add3A_107 = arith.addf %gather3A_102, %gather3A_106 : vector<16xf32>
      %broadcast_in_dim3A_108 = arith.constant 7 : i32
      %broadcast_in_dim3A_109 = vector.broadcast %broadcast_in_dim3A_108 : i32 to vector<16xi32>
      %gather3A_110 = tpu.vector_load_idx %arg9[%add3A_50, %broadcast_in_dim3A_109] : memref<512x17xf32, #tpu.memory_space<vmem>>[vector<16xi32>, vector<16xi32>], vector<16xf32>,
      %add3A_111 = arith.constant 7 : i32
      %add3A_112 = vector.broadcast %add3A_111 : i32 to vector<16xi32>
      %add3A_113 = arith.addi %mul3A_53, %add3A_112 : vector<16xi32>
      %gather3A_114 = tpu.vector_load_idx %arg8[%add3A_113] : memref<8704xf32, #tpu.memory_space<vmem>>[vector<16xi32>], vector<16xf32>,
      %add3A_115 = arith.addf %gather3A_110, %gather3A_114 : vector<16xf32>
      %broadcast_in_dim3A_116 = arith.constant 8 : i32
      %broadcast_in_dim3A_117 = vector.broadcast %broadcast_in_dim3A_116 : i32 to vector<16xi32>
      %gather3A_118 = tpu.vector_load_idx %arg9[%add3A_50, %broadcast_in_dim3A_117] : memref<512x17xf32, #tpu.memory_space<vmem>>[vector<16xi32>, vector<16xi32>], vector<16xf32>,
      %add3A_119 = arith.constant 8 : i32
      %add3A_120 = vector.broadcast %add3A_119 : i32 to vector<16xi32>
      %add3A_121 = arith.addi %mul3A_53, %add3A_120 : vector<16xi32>
      %gather3A_122 = tpu.vector_load_idx %arg8[%add3A_121] : memref<8704xf32, #tpu.memory_space<vmem>>[vector<16xi32>], vector<16xf32>,
      %add3A_123 = arith.addf %gather3A_118, %gather3A_122 : vector<16xf32>
      %broadcast_in_dim3A_124 = arith.constant 9 : i32
      %broadcast_in_dim3A_125 = vector.broadcast %broadcast_in_dim3A_124 : i32 to vector<16xi32>
      %gather3A_126 = tpu.vector_load_idx %arg9[%add3A_50, %broadcast_in_dim3A_125] : memref<512x17xf32, #tpu.memory_space<vmem>>[vector<16xi32>, vector<16xi32>], vector<16xf32>,
      %add3A_127 = arith.constant 9 : i32
      %add3A_128 = vector.broadcast %add3A_127 : i32 to vector<16xi32>
      %add3A_129 = arith.addi %mul3A_53, %add3A_128 : vector<16xi32>
      %gather3A_130 = tpu.vector_load_idx %arg8[%add3A_129] : memref<8704xf32, #tpu.memory_space<vmem>>[vector<16xi32>], vector<16xf32>,
      %add3A_131 = arith.addf %gather3A_126, %gather3A_130 : vector<16xf32>
      %broadcast_in_dim3A_132 = arith.constant 10 : i32
      %broadcast_in_dim3A_133 = vector.broadcast %broadcast_in_dim3A_132 : i32 to vector<16xi32>
      %gather3A_134 = tpu.vector_load_idx %arg9[%add3A_50, %broadcast_in_dim3A_133] : memref<512x17xf32, #tpu.memory_space<vmem>>[vector<16xi32>, vector<16xi32>], vector<16xf32>,
      %add3A_135 = arith.constant 10 : i32
      %add3A_136 = vector.broadcast %add3A_135 : i32 to vector<16xi32>
      %add3A_137 = arith.addi %mul3A_53, %add3A_136 : vector<16xi32>
      %gather3A_138 = tpu.vector_load_idx %arg8[%add3A_137] : memref<8704xf32, #tpu.memory_space<vmem>>[vector<16xi32>], vector<16xf32>,
      %add3A_139 = arith.addf %gather3A_134, %gather3A_138 : vector<16xf32>
      %broadcast_in_dim3A_140 = arith.constant 11 : i32
      %broadcast_in_dim3A_141 = vector.broadcast %broadcast_in_dim3A_140 : i32 to vector<16xi32>
      %gather3A_142 = tpu.vector_load_idx %arg9[%add3A_50, %broadcast_in_dim3A_141] : memref<512x17xf32, #tpu.memory_space<vmem>>[vector<16xi32>, vector<16xi32>], vector<16xf32>,
      %add3A_143 = arith.constant 11 : i32
      %add3A_144 = vector.broadcast %add3A_143 : i32 to vector<16xi32>
      %add3A_145 = arith.addi %mul3A_53, %add3A_144 : vector<16xi32>
      %gather3A_146 = tpu.vector_load_idx %arg8[%add3A_145] : memref<8704xf32, #tpu.memory_space<vmem>>[vector<16xi32>], vector<16xf32>,
      %add3A_147 = arith.addf %gather3A_142, %gather3A_146 : vector<16xf32>
      %broadcast_in_dim3A_148 = arith.constant 12 : i32
      %broadcast_in_dim3A_149 = vector.broadcast %broadcast_in_dim3A_148 : i32 to vector<16xi32>
      %gather3A_150 = tpu.vector_load_idx %arg9[%add3A_50, %broadcast_in_dim3A_149] : memref<512x17xf32, #tpu.memory_space<vmem>>[vector<16xi32>, vector<16xi32>], vector<16xf32>,
      %add3A_151 = arith.constant 12 : i32
      %add3A_152 = vector.broadcast %add3A_151 : i32 to vector<16xi32>
      %add3A_153 = arith.addi %mul3A_53, %add3A_152 : vector<16xi32>
      %gather3A_154 = tpu.vector_load_idx %arg8[%add3A_153] : memref<8704xf32, #tpu.memory_space<vmem>>[vector<16xi32>], vector<16xf32>,
      %add3A_155 = arith.addf %gather3A_150, %gather3A_154 : vector<16xf32>
      %broadcast_in_dim3A_156 = arith.constant 13 : i32
      %broadcast_in_dim3A_157 = vector.broadcast %broadcast_in_dim3A_156 : i32 to vector<16xi32>
      %gather3A_158 = tpu.vector_load_idx %arg9[%add3A_50, %broadcast_in_dim3A_157] : memref<512x17xf32, #tpu.memory_space<vmem>>[vector<16xi32>, vector<16xi32>], vector<16xf32>,
      %add3A_159 = arith.constant 13 : i32
      %add3A_160 = vector.broadcast %add3A_159 : i32 to vector<16xi32>
      %add3A_161 = arith.addi %mul3A_53, %add3A_160 : vector<16xi32>
      %gather3A_162 = tpu.vector_load_idx %arg8[%add3A_161] : memref<8704xf32, #tpu.memory_space<vmem>>[vector<16xi32>], vector<16xf32>,
      %add3A_163 = arith.addf %gather3A_158, %gather3A_162 : vector<16xf32>
      %broadcast_in_dim3A_164 = arith.constant 14 : i32
      %broadcast_in_dim3A_165 = vector.broadcast %broadcast_in_dim3A_164 : i32 to vector<16xi32>
      %gather3A_166 = tpu.vector_load_idx %arg9[%add3A_50, %broadcast_in_dim3A_165] : memref<512x17xf32, #tpu.memory_space<vmem>>[vector<16xi32>, vector<16xi32>], vector<16xf32>,
      %add3A_167 = arith.constant 14 : i32
      %add3A_168 = vector.broadcast %add3A_167 : i32 to vector<16xi32>
      %add3A_169 = arith.addi %mul3A_53, %add3A_168 : vector<16xi32>
      %gather3A_170 = tpu.vector_load_idx %arg8[%add3A_169] : memref<8704xf32, #tpu.memory_space<vmem>>[vector<16xi32>], vector<16xf32>,
      %add3A_171 = arith.addf %gather3A_166, %gather3A_170 : vector<16xf32>
      %broadcast_in_dim3A_172 = arith.constant 15 : i32
      %broadcast_in_dim3A_173 = vector.broadcast %broadcast_in_dim3A_172 : i32 to vector<16xi32>
      %gather3A_174 = tpu.vector_load_idx %arg9[%add3A_50, %broadcast_in_dim3A_173] : memref<512x17xf32, #tpu.memory_space<vmem>>[vector<16xi32>, vector<16xi32>], vector<16xf32>,
      %add3A_175 = arith.constant 15 : i32
      %add3A_176 = vector.broadcast %add3A_175 : i32 to vector<16xi32>
      %add3A_177 = arith.addi %mul3A_53, %add3A_176 : vector<16xi32>
      %gather3A_178 = tpu.vector_load_idx %arg8[%add3A_177] : memref<8704xf32, #tpu.memory_space<vmem>>[vector<16xi32>], vector<16xf32>,
      %add3A_179 = arith.addf %gather3A_174, %gather3A_178 : vector<16xf32>
      %broadcast_in_dim3A_180 = arith.constant 16 : i32
      %broadcast_in_dim3A_181 = vector.broadcast %broadcast_in_dim3A_180 : i32 to vector<16xi32>
      %gather3A_182 = tpu.vector_load_idx %arg9[%add3A_50, %broadcast_in_dim3A_181] : memref<512x17xf32, #tpu.memory_space<vmem>>[vector<16xi32>, vector<16xi32>], vector<16xf32>,
      %add3A_183 = arith.constant 16 : i32
      %add3A_184 = vector.broadcast %add3A_183 : i32 to vector<16xi32>
      %add3A_185 = arith.addi %mul3A_53, %add3A_184 : vector<16xi32>
      %gather3A_186 = tpu.vector_load_idx %arg8[%add3A_185] : memref<8704xf32, #tpu.memory_space<vmem>>[vector<16xi32>], vector<16xf32>,
      %add3A_187 = arith.addf %gather3A_182, %gather3A_186 : vector<16xf32>
      %max3A = arith.maximumf %add3A_59, %add3A_67 : vector<16xf32>
      %max3A_188 = arith.maximumf %max3A, %add3A_75 : vector<16xf32>
      %max3A_189 = arith.maximumf %max3A_188, %add3A_83 : vector<16xf32>
      %max3A_190 = arith.maximumf %max3A_189, %add3A_91 : vector<16xf32>
      %max3A_191 = arith.maximumf %max3A_190, %add3A_99 : vector<16xf32>
      %max3A_192 = arith.maximumf %max3A_191, %add3A_107 : vector<16xf32>
      %max3A_193 = arith.maximumf %max3A_192, %add3A_115 : vector<16xf32>
      %max3A_194 = arith.maximumf %max3A_193, %add3A_123 : vector<16xf32>
      %max3A_195 = arith.maximumf %max3A_194, %add3A_131 : vector<16xf32>
      %max3A_196 = arith.maximumf %max3A_195, %add3A_139 : vector<16xf32>
      %max3A_197 = arith.maximumf %max3A_196, %add3A_147 : vector<16xf32>
      %max3A_198 = arith.maximumf %max3A_197, %add3A_155 : vector<16xf32>
      %max3A_199 = arith.maximumf %max3A_198, %add3A_163 : vector<16xf32>
      %max3A_200 = arith.maximumf %max3A_199, %add3A_171 : vector<16xf32>
      %max3A_201 = arith.maximumf %max3A_200, %add3A_179 : vector<16xf32>
      %max3A_202 = arith.maximumf %max3A_201, %add3A_187 : vector<16xf32>
      %sub3A = arith.subf %add3A_59, %max3A_202 : vector<16xf32>
      %exp3A = math.exp %sub3A : vector<16xf32>
      %sub3A_203 = arith.subf %add3A_67, %max3A_202 : vector<16xf32>
      %exp3A_204 = math.exp %sub3A_203 : vector<16xf32>
      %sub3A_205 = arith.subf %add3A_75, %max3A_202 : vector<16xf32>
      %exp3A_206 = math.exp %sub3A_205 : vector<16xf32>
      %sub3A_207 = arith.subf %add3A_83, %max3A_202 : vector<16xf32>
      %exp3A_208 = math.exp %sub3A_207 : vector<16xf32>
      %sub3A_209 = arith.subf %add3A_91, %max3A_202 : vector<16xf32>
      %exp3A_210 = math.exp %sub3A_209 : vector<16xf32>
      %sub3A_211 = arith.subf %add3A_99, %max3A_202 : vector<16xf32>
      %exp3A_212 = math.exp %sub3A_211 : vector<16xf32>
      %sub3A_213 = arith.subf %add3A_107, %max3A_202 : vector<16xf32>
      %exp3A_214 = math.exp %sub3A_213 : vector<16xf32>
      %sub3A_215 = arith.subf %add3A_115, %max3A_202 : vector<16xf32>
      %exp3A_216 = math.exp %sub3A_215 : vector<16xf32>
      %sub3A_217 = arith.subf %add3A_123, %max3A_202 : vector<16xf32>
      %exp3A_218 = math.exp %sub3A_217 : vector<16xf32>
      %sub3A_219 = arith.subf %add3A_131, %max3A_202 : vector<16xf32>
      %exp3A_220 = math.exp %sub3A_219 : vector<16xf32>
      %sub3A_221 = arith.subf %add3A_139, %max3A_202 : vector<16xf32>
      %exp3A_222 = math.exp %sub3A_221 : vector<16xf32>
      %sub3A_223 = arith.subf %add3A_147, %max3A_202 : vector<16xf32>
      %exp3A_224 = math.exp %sub3A_223 : vector<16xf32>
      %sub3A_225 = arith.subf %add3A_155, %max3A_202 : vector<16xf32>
      %exp3A_226 = math.exp %sub3A_225 : vector<16xf32>
      %sub3A_227 = arith.subf %add3A_163, %max3A_202 : vector<16xf32>
      %exp3A_228 = math.exp %sub3A_227 : vector<16xf32>
      %sub3A_229 = arith.subf %add3A_171, %max3A_202 : vector<16xf32>
      %exp3A_230 = math.exp %sub3A_229 : vector<16xf32>
      %sub3A_231 = arith.subf %add3A_179, %max3A_202 : vector<16xf32>
      %exp3A_232 = math.exp %sub3A_231 : vector<16xf32>
      %sub3A_233 = arith.subf %add3A_187, %max3A_202 : vector<16xf32>
      %exp3A_234 = math.exp %sub3A_233 : vector<16xf32>
      %add3A_235 = arith.addf %exp3A, %exp3A_204 : vector<16xf32>
      %add3A_236 = arith.addf %add3A_235, %exp3A_206 : vector<16xf32>
      %add3A_237 = arith.addf %add3A_236, %exp3A_208 : vector<16xf32>
      %add3A_238 = arith.addf %add3A_237, %exp3A_210 : vector<16xf32>
      %add3A_239 = arith.addf %add3A_238, %exp3A_212 : vector<16xf32>
      %add3A_240 = arith.addf %add3A_239, %exp3A_214 : vector<16xf32>
      %add3A_241 = arith.addf %add3A_240, %exp3A_216 : vector<16xf32>
      %add3A_242 = arith.addf %add3A_241, %exp3A_218 : vector<16xf32>
      %add3A_243 = arith.addf %add3A_242, %exp3A_220 : vector<16xf32>
      %add3A_244 = arith.addf %add3A_243, %exp3A_222 : vector<16xf32>
      %add3A_245 = arith.addf %add3A_244, %exp3A_224 : vector<16xf32>
      %add3A_246 = arith.addf %add3A_245, %exp3A_226 : vector<16xf32>
      %add3A_247 = arith.addf %add3A_246, %exp3A_228 : vector<16xf32>
      %add3A_248 = arith.addf %add3A_247, %exp3A_230 : vector<16xf32>
      %add3A_249 = arith.addf %add3A_248, %exp3A_232 : vector<16xf32>
      %add3A_250 = arith.addf %add3A_249, %exp3A_234 : vector<16xf32>
      %div3A = arith.constant 1.000000e+00 : f32
      %div3A_251 = vector.broadcast %div3A : f32 to vector<16xf32>
      %div3A_252 = arith.divf %div3A_251, %add3A_250 : vector<16xf32>
      %broadcast_in_dim3A_253 = arith.constant 0 : i32
      %broadcast_in_dim3A_254 = vector.broadcast %broadcast_in_dim3A_253 : i32 to vector<16xi32>
      %mul3A_255 = arith.mulf %exp3A, %div3A_252 : vector<16xf32>
      tpu.vector_store_idx %arg9[%add3A_50, %broadcast_in_dim3A_254], %mul3A_255 : memref<512x17xf32, #tpu.memory_space<vmem>>[vector<16xi32>, vector<16xi32>], vector<16xf32>,
      %broadcast_in_dim3A_256 = arith.constant 1 : i32
      %broadcast_in_dim3A_257 = vector.broadcast %broadcast_in_dim3A_256 : i32 to vector<16xi32>
      %mul3A_258 = arith.mulf %exp3A_204, %div3A_252 : vector<16xf32>
      tpu.vector_store_idx %arg9[%add3A_50, %broadcast_in_dim3A_257], %mul3A_258 : memref<512x17xf32, #tpu.memory_space<vmem>>[vector<16xi32>, vector<16xi32>], vector<16xf32>,
      %broadcast_in_dim3A_259 = arith.constant 2 : i32
      %broadcast_in_dim3A_260 = vector.broadcast %broadcast_in_dim3A_259 : i32 to vector<16xi32>
      %mul3A_261 = arith.mulf %exp3A_206, %div3A_252 : vector<16xf32>
      tpu.vector_store_idx %arg9[%add3A_50, %broadcast_in_dim3A_260], %mul3A_261 : memref<512x17xf32, #tpu.memory_space<vmem>>[vector<16xi32>, vector<16xi32>], vector<16xf32>,
      %broadcast_in_dim3A_262 = arith.constant 3 : i32
      %broadcast_in_dim3A_263 = vector.broadcast %broadcast_in_dim3A_262 : i32 to vector<16xi32>
      %mul3A_264 = arith.mulf %exp3A_208, %div3A_252 : vector<16xf32>
      tpu.vector_store_idx %arg9[%add3A_50, %broadcast_in_dim3A_263], %mul3A_264 : memref<512x17xf32, #tpu.memory_space<vmem>>[vector<16xi32>, vector<16xi32>], vector<16xf32>,
      %broadcast_in_dim3A_265 = arith.constant 4 : i32
      %broadcast_in_dim3A_266 = vector.broadcast %broadcast_in_dim3A_265 : i32 to vector<16xi32>
      %mul3A_267 = arith.mulf %exp3A_210, %div3A_252 : vector<16xf32>
      tpu.vector_store_idx %arg9[%add3A_50, %broadcast_in_dim3A_266], %mul3A_267 : memref<512x17xf32, #tpu.memory_space<vmem>>[vector<16xi32>, vector<16xi32>], vector<16xf32>,
      %broadcast_in_dim3A_268 = arith.constant 5 : i32
      %broadcast_in_dim3A_269 = vector.broadcast %broadcast_in_dim3A_268 : i32 to vector<16xi32>
      %mul3A_270 = arith.mulf %exp3A_212, %div3A_252 : vector<16xf32>
      tpu.vector_store_idx %arg9[%add3A_50, %broadcast_in_dim3A_269], %mul3A_270 : memref<512x17xf32, #tpu.memory_space<vmem>>[vector<16xi32>, vector<16xi32>], vector<16xf32>,
      %broadcast_in_dim3A_271 = arith.constant 6 : i32
      %broadcast_in_dim3A_272 = vector.broadcast %broadcast_in_dim3A_271 : i32 to vector<16xi32>
      %mul3A_273 = arith.mulf %exp3A_214, %div3A_252 : vector<16xf32>
      tpu.vector_store_idx %arg9[%add3A_50, %broadcast_in_dim3A_272], %mul3A_273 : memref<512x17xf32, #tpu.memory_space<vmem>>[vector<16xi32>, vector<16xi32>], vector<16xf32>,
      %broadcast_in_dim3A_274 = arith.constant 7 : i32
      %broadcast_in_dim3A_275 = vector.broadcast %broadcast_in_dim3A_274 : i32 to vector<16xi32>
      %mul3A_276 = arith.mulf %exp3A_216, %div3A_252 : vector<16xf32>
      tpu.vector_store_idx %arg9[%add3A_50, %broadcast_in_dim3A_275], %mul3A_276 : memref<512x17xf32, #tpu.memory_space<vmem>>[vector<16xi32>, vector<16xi32>], vector<16xf32>,
      %broadcast_in_dim3A_277 = arith.constant 8 : i32
      %broadcast_in_dim3A_278 = vector.broadcast %broadcast_in_dim3A_277 : i32 to vector<16xi32>
      %mul3A_279 = arith.mulf %exp3A_218, %div3A_252 : vector<16xf32>
      tpu.vector_store_idx %arg9[%add3A_50, %broadcast_in_dim3A_278], %mul3A_279 : memref<512x17xf32, #tpu.memory_space<vmem>>[vector<16xi32>, vector<16xi32>], vector<16xf32>,
      %broadcast_in_dim3A_280 = arith.constant 9 : i32
      %broadcast_in_dim3A_281 = vector.broadcast %broadcast_in_dim3A_280 : i32 to vector<16xi32>
      %mul3A_282 = arith.mulf %exp3A_220, %div3A_252 : vector<16xf32>
      tpu.vector_store_idx %arg9[%add3A_50, %broadcast_in_dim3A_281], %mul3A_282 : memref<512x17xf32, #tpu.memory_space<vmem>>[vector<16xi32>, vector<16xi32>], vector<16xf32>,
      %broadcast_in_dim3A_283 = arith.constant 10 : i32
      %broadcast_in_dim3A_284 = vector.broadcast %broadcast_in_dim3A_283 : i32 to vector<16xi32>
      %mul3A_285 = arith.mulf %exp3A_222, %div3A_252 : vector<16xf32>
      tpu.vector_store_idx %arg9[%add3A_50, %broadcast_in_dim3A_284], %mul3A_285 : memref<512x17xf32, #tpu.memory_space<vmem>>[vector<16xi32>, vector<16xi32>], vector<16xf32>,
      %broadcast_in_dim3A_286 = arith.constant 11 : i32
      %broadcast_in_dim3A_287 = vector.broadcast %broadcast_in_dim3A_286 : i32 to vector<16xi32>
      %mul3A_288 = arith.mulf %exp3A_224, %div3A_252 : vector<16xf32>
      tpu.vector_store_idx %arg9[%add3A_50, %broadcast_in_dim3A_287], %mul3A_288 : memref<512x17xf32, #tpu.memory_space<vmem>>[vector<16xi32>, vector<16xi32>], vector<16xf32>,
      %broadcast_in_dim3A_289 = arith.constant 12 : i32
      %broadcast_in_dim3A_290 = vector.broadcast %broadcast_in_dim3A_289 : i32 to vector<16xi32>
      %mul3A_291 = arith.mulf %exp3A_226, %div3A_252 : vector<16xf32>
      tpu.vector_store_idx %arg9[%add3A_50, %broadcast_in_dim3A_290], %mul3A_291 : memref<512x17xf32, #tpu.memory_space<vmem>>[vector<16xi32>, vector<16xi32>], vector<16xf32>,
      %broadcast_in_dim3A_292 = arith.constant 13 : i32
      %broadcast_in_dim3A_293 = vector.broadcast %broadcast_in_dim3A_292 : i32 to vector<16xi32>
      %mul3A_294 = arith.mulf %exp3A_228, %div3A_252 : vector<16xf32>
      tpu.vector_store_idx %arg9[%add3A_50, %broadcast_in_dim3A_293], %mul3A_294 : memref<512x17xf32, #tpu.memory_space<vmem>>[vector<16xi32>, vector<16xi32>], vector<16xf32>,
      %broadcast_in_dim3A_295 = arith.constant 14 : i32
      %broadcast_in_dim3A_296 = vector.broadcast %broadcast_in_dim3A_295 : i32 to vector<16xi32>
      %mul3A_297 = arith.mulf %exp3A_230, %div3A_252 : vector<16xf32>
      tpu.vector_store_idx %arg9[%add3A_50, %broadcast_in_dim3A_296], %mul3A_297 : memref<512x17xf32, #tpu.memory_space<vmem>>[vector<16xi32>, vector<16xi32>], vector<16xf32>,
      %broadcast_in_dim3A_298 = arith.constant 15 : i32
      %broadcast_in_dim3A_299 = vector.broadcast %broadcast_in_dim3A_298 : i32 to vector<16xi32>
      %mul3A_300 = arith.mulf %exp3A_232, %div3A_252 : vector<16xf32>
      tpu.vector_store_idx %arg9[%add3A_50, %broadcast_in_dim3A_299], %mul3A_300 : memref<512x17xf32, #tpu.memory_space<vmem>>[vector<16xi32>, vector<16xi32>], vector<16xf32>,
      %broadcast_in_dim3A_301 = arith.constant 16 : i32
      %broadcast_in_dim3A_302 = vector.broadcast %broadcast_in_dim3A_301 : i32 to vector<16xi32>
      %mul3A_303 = arith.mulf %exp3A_234, %div3A_252 : vector<16xf32>
      tpu.vector_store_idx %arg9[%add3A_50, %broadcast_in_dim3A_302], %mul3A_303 : memref<512x17xf32, #tpu.memory_space<vmem>>[vector<16xi32>, vector<16xi32>], vector<16xf32>,
      %scan3A_304 = arith.constant 0 : i32
      scf.yield %scan3A_304 : i32
    }
    %scan3A_44 = arith.constant 32 : i32
    "tpu.region"() ({
      %run_scoped3A = tpu.sem_alloc : memref<!tpu.dma_semaphore, #tpu.memory_space<semaphore_mem>>
      %dma_start3A_45 = arith.constant 0 : i32
      %dma_start3A_46 = tpu.memref_slice %arg6[%mul3A_2, %dma_start3A_45] : memref<16384x17xf32, #tpu.memory_space<hbm>> -> memref<512x17xf32, #tpu.memory_space<hbm>>
      %dma_start3A_47 = arith.constant 0 : i32
      %dma_start3A_48 = tpu.memref_slice %arg6[%mul3A_2, %dma_start3A_47] : memref<16384x17xf32, #tpu.memory_space<hbm>> -> memref<512x17xf32, #tpu.memory_space<hbm>>
      tpu.enqueue_dma source(%arg9 : memref<512x17xf32, #tpu.memory_space<vmem>>) target(%dma_start3A_48 : memref<512x17xf32, #tpu.memory_space<hbm>>) target_semaphore(%run_scoped3A : memref<!tpu.dma_semaphore, #tpu.memory_space<semaphore_mem>>)
      %dma_wait3A_49 = arith.constant 0 : i32
      %dma_wait3A_50 = tpu.memref_slice %arg6[%mul3A_2, %dma_wait3A_49] : memref<16384x17xf32, #tpu.memory_space<hbm>> -> memref<512x17xf32, #tpu.memory_space<hbm>>
      %dma_wait3A_51 = arith.constant 0 : i32
      %dma_wait3A_52 = tpu.memref_slice %arg6[%mul3A_2, %dma_wait3A_51] : memref<16384x17xf32, #tpu.memory_space<hbm>> -> memref<512x17xf32, #tpu.memory_space<hbm>>
      tpu.wait_dma2 semaphore(%run_scoped3A : memref<!tpu.dma_semaphore, #tpu.memory_space<semaphore_mem>>) src(%arg9 : memref<512x17xf32, #tpu.memory_space<vmem>>) dst(%dma_wait3A_52 : memref<512x17xf32, #tpu.memory_space<hbm>>)
      tpu.yield
    }) : () -> ()
    return
  }
}

</mosaic_0001>

<sc_bundles>
// kernel: _run.3.cloned.1.call-start
scs
__scs_entry_jumppad:
0x0: {  	(pc) =	sbr.rel $0x88, $3  }
0x1: {  	(tag) =	ssettag $0x0;
	lr =	simm.s32 $0x1  }
0x2: {  	[smem:$0x3F9D] =	sst lr;
	_ =	strace $0xD0000000  }
0x3: {  	_ = 	snop  }
0x4: {  	_ = 	snop  }
0x5: {  	_ = 	snop  }
0x6: {  	_ = 	snop  }
0x7: {  	_ = 	snop  }
__scs_overlays_trampoline_lowered:
0x8: {  	[smem:$0x3FAC] =	sst s0  }
0x9: {  	[smem:$0x3FAD] =	sst s1  }
0xa: {  	[smem:$0x3FAE] =	sst s2  }
0xb: {  	[smem:$0x3FAF] =	sst s3  }
0xc: {  	[smem:$0x3FB0] =	sst s4  }
0xd: {  	[smem:$0x3FB1] =	sst s5  }
0xe: {  	[smem:$0x3FB2] =	sst s6  }
0xf: {  	[smem:$0x3FB3] =	sst s7  }
0x10: {  	[smem:$0x3FB4] =	sst s8  }
0x11: {  	[smem:$0x3FB5] =	sst s9;
	s0 =	simm.s32 @!p0 $0x0  }
0x12: {  	s1 =	sld [smem:$0x3F9B];
	s0 =	simm.s32 @p0 $0x1  }
0x13: {  	[smem:$0x3FB6] =	sst s0;
	s0 =	simm.s32 @!p1 $0x0  }
0x14: {  	s2 =	sld [smem:$0x3F9A];
	s0 =	simm.s32 @p1 $0x1  }
0x15: {  	[smem:$0x3FB7] =	sst s0;
	s0 =	simm.s32 @!p2 $0x0  }
0x16: {  	s3 =	sld [smem:$0x3FDB];
	s0 =	simm.s32 @p2 $0x1  }
0x17: {  	s4 =	simm.s32 $0x1BF5;
	[smem:$0x3FB9] =	sst s0  }
0x18: {  	s0 =	sld [smem:$0x3F9C];
	_ =	swait.ge [sflag:s4], $0x0  }
0x19: {  	s7 =	sld [smem:$0x3F9D]  }
0x1a: {  	s8 =	sadd.s32 $0xFFFFE003, lr  }
0x1b: {  	s9 =	sadd.s32 $0xFFFFFEF7, lr;
	s5 =	simm.s32 $0xFFFFFFFF;
	p2 =	slt.u32 s8, $0xFFFFF086  }
0x1c: {  	p1 =	slt.u32 s9, $0xF7A;
	s5 =	simm.s32 @!p2 $0x0  }
0x1d: {  	s5 =	simm.s32 @p1 $0x1;
	p0 =	seq.s32 s7, s2  }
0x1e: {  	s7 =	smul.u32 @!p0 $0xF7A, s2;
	p2 =	seq.s32 @!p0 s5, $0x0  }
0x1f: {  	s9 =	smul.u32 $0xF7A, s1;
	s8 =	simm.s32 @!p0 $0x1BF5;
	p2 =	por !p2, p0  }
0x20: {  	[sflag:s8] =	ssyncset.s32 @!p0 $0xFFFFF086;
	s6 =	sadd.s32 @!p0 s3, s7;
	s7 =	simm.s32 @!p0 $0x108  }
0x21: {  	s3 =	sadd.s32 s3, s9;
	s6 =	sadd.s32 @!p0 $0x88, s6;
	s7 =	simm.s32 @p2 $0x1082  }
0x22: {  	[simem:s7], [sflag:s8] =	dma.local @!p0 [hbm:s6], $0xF7A  }
0x23: {  	s9 =	sor.u32 $0xD0000000, s2;
	s6 =	simm.s32 $0x108;
	_ =	swait.ge @!p0 [sflag:s8], $0x0  }
0x24: {  	s3 =	sadd.s32 $0x88, s3;
	s6 =	simm.s32 @!p1 $0x1082;
	[sflag:s4] =	ssyncset.s32 $0xFFFFF086  }
0x25: {  	[simem:s6], [sflag:s4] =	dma.local [hbm:s3], $0xF7A  }
0x26: {  	[smem:$0x3F9D] =	sst s1;
	(tag) =	ssettag s2;
	_ =	strace s9  }
0x27: {  	s1 =	sld [smem:$0x3FAD]  }
0x28: {  	s2 =	sld [smem:$0x3FAE]  }
0x29: {  	s4 =	sld [smem:$0x3FB0]  }
0x2a: {  	p0 =	seq.s32 s5, $0x0;
	s5 =	sld [smem:$0x3FB1]  }
0x2b: {  	s6 =	sld [smem:$0x3FB2]  }
0x2c: {  	s7 =	sld [smem:$0x3FB3]  }
0x2d: {  	s3 =	simm.s32 $0x108;
	s8 =	sld [smem:$0x3FB4]  }
0x2e: {  	s3 =	simm.s32 @!p0 $0x1082;
	s9 =	sld [smem:$0x3FB5]  }
0x2f: {  	lr =	sadd.s32 s0, s3;
	s0 =	sld [smem:$0x3FAC]  }
0x30: {  	s3 =	sld [smem:$0x3FAF]  }
0x31: {  	[smem:$0x3FB8] =	sst s10  }
0x32: {  	s10 =	sld [smem:$0x3FB6];
	_ =	sdelay $0x3  }
0x33: {  	p0 =	seq.s32 s10, $0x1;
	s10 =	sld [smem:$0x3FB8];
	_ =	sdelay $0x3  }
0x34: {  	[smem:$0x3FB8] =	sst s10  }
0x35: {  	s10 =	sld [smem:$0x3FB7];
	_ =	sdelay $0x3  }
0x36: {  	p1 =	seq.s32 s10, $0x1;
	s10 =	sld [smem:$0x3FB8];
	_ =	sdelay $0x3  }
0x37: {  	[smem:$0x3FB8] =	sst s10  }
0x38: {  	s10 =	sld [smem:$0x3FB9]  }
0x39: {  	_ = 	snop;
	(pc) =	sbr.ind lr, $3  }
0x3a: {  	_ = 	snop  }
0x3b: {  	_ = 	snop  }
0x3c: {  	p2 =	seq.s32 s10, $0x1;
	s10 =	sld [smem:$0x3FB8]  }
0x3d: {  	_ =	shalt  }
0x3e: {  	_ =	shalt  }
0x3f: {  	_ =	shalt  }
0x40: {  	_ =	shalt  }
0x41: {  	_ =	shalt  }
0x42: {  	_ =	shalt  }
0x43: {  	_ =	shalt  }
0x44: {  	_ =	shalt  }
0x45: {  	_ =	shalt  }
0x46: {  	_ =	shalt  }
0x47: {  	_ =	shalt  }
0x48: {  	_ =	shalt  }
0x49: {  	_ =	shalt  }
0x4a: {  	_ =	shalt  }
0x4b: {  	_ =	shalt  }
0x4c: {  	_ =	shalt  }
0x4d: {  	_ =	shalt  }
0x4e: {  	_ =	shalt  }
0x4f: {  	_ =	shalt  }
0x50: {  	_ =	shalt  }
0x51: {  	_ =	shalt  }
0x52: {  	_ =	shalt  }
0x53: {  	_ =	shalt  }
0x54: {  	_ =	shalt  }
0x55: {  	_ =	shalt  }
0x56: {  	_ =	shalt  }
0x57: {  	_ =	shalt  }
0x58: {  	_ =	shalt  }
0x59: {  	_ =	shalt  }
0x5a: {  	_ =	shalt  }
0x5b: {  	_ =	shalt  }
0x5c: {  	_ =	shalt  }
0x5d: {  	_ =	shalt  }
0x5e: {  	_ =	shalt  }
0x5f: {  	_ =	shalt  }
0x60: {  	_ =	shalt  }
0x61: {  	_ =	shalt  }
0x62: {  	_ =	shalt  }
0x63: {  	_ =	shalt  }
0x64: {  	_ =	shalt  }
0x65: {  	_ =	shalt  }
0x66: {  	_ =	shalt  }
0x67: {  	_ =	shalt  }
0x68: {  	_ =	shalt  }
0x69: {  	_ =	shalt  }
0x6a: {  	_ =	shalt  }
0x6b: {  	_ =	shalt  }
0x6c: {  	_ =	shalt  }
0x6d: {  	_ =	shalt  }
0x6e: {  	_ =	shalt  }
0x6f: {  	_ =	shalt  }
0x70: {  	_ =	shalt  }
0x71: {  	_ =	shalt  }
0x72: {  	_ =	shalt  }
0x73: {  	_ =	shalt  }
0x74: {  	_ =	shalt  }
0x75: {  	_ =	shalt  }
0x76: {  	_ =	shalt  }
0x77: {  	_ =	shalt  }
0x78: {  	_ =	shalt  }
0x79: {  	_ =	shalt  }
0x7a: {  	_ =	shalt  }
0x7b: {  	_ =	shalt  }
0x7c: {  	_ =	shalt  }
0x7d: {  	_ =	shalt  }
0x7e: {  	_ =	shalt  }
0x7f: {  	_ =	shalt  }
0x80: {  	_ =	shalt  }
0x81: {  	_ =	shalt  }
0x82: {  	_ =	shalt  }
0x83: {  	_ =	shalt  }
0x84: {  	_ =	shalt  }
0x85: {  	_ =	shalt  }
0x86: {  	_ =	shalt  }
0x87: {  	_ =	shalt  }
.Lfunc_end0:
.L_simem_size_0:
called_computation_lowered:
.L_overlay_start_0:
0x88: {  	s2 =	sld [smem:$0x3FD9]  }
0x89: {  	s3 =	sld [smem:$0x3FFE];
	_ =	sdelay $0x1  }
0x8a: {  	s1 =	srdreg.scid  }
0x8b: {  	s0 =	sand.u32 $0x1, s1  }
0x8c: {  	s18 =	sshll.u32 s0, $0xA;
	s2 =	sadd.s32 s3, s2  }
0x8d: {  	s2 =	sadd.s32 s2, s18  }
0x8e: {  	[smem:$0x3FC4] =	sst s2  }
0x8f: {  	_ = 	snop  }
0x90: {  	s2 =	sld [smem:$0x3FC9]  }
0x91: {  	s19 =	sld [smem:$0x3FC8]  }
0x92: {  	s4 =	sld [smem:$0x3FC7]  }
0x93: {  	s5 =	sld [smem:$0x3FC6]  }
0x94: {  	s6 =	sld [smem:$0x3FD0];
	(tm) =	ssettm $0x1  }
0x95: {  	s7 =	sld [smem:$0x3FFB];
	_ =	sdelay $0x3  }
0x96: {  	_ =	strace s7  }
0x97: {  	s7 =	sld [smem:$0x3FFC];
	_ =	sdelay $0x3  }
0x98: {  	_ =	strace s7  }
0x99: {  	s7 =	sld [smem:$0x3FFD];
	_ =	sdelay $0x3  }
0x9a: {  	_ =	strace s7  }
0x9b: {  	_ =	strace $0x8FFFFFFF  }
0x9c: {  	s20 =	sld [smem:$0x3FDB];
	_ =	sdelay $0x1  }
0x9d: {  	s8 =	simm.s32 $_scs_section_size  }
0x9e: {  	s9 =	simm.s32 $_size__tile_overlayer_lowered;
	s10 =	simm.s32 $_tile_overlayer_lowered  }
0x9f: {  	s23 =	simm.s32 $0x1BFF;
	s22 =	sshll.u32 s10, $0x1;
	s7 =	sadd.s32 s8, s20  }
0xa0: {  	s11 =	simm.s32 $0x0;
	s21 =	sshll.u32 s9, $0x1;
	s9 =	sadd.s32 s22, s7  }
0xa1: {  	[timem:s11], [sflag:s23] =	dma.local [hbm:s9], s21  }
0xa2: {  	_ =	swait.ge [sflag:s23], s21  }
0xa3: {  	s8 =	ssub.s32 $0x0, s21;
	[sflag:s23] =	ssyncset.done $0x0  }
0xa4: {  	[sflag:s23] =	ssyncadd.s32 s8;
	_ =	sdelay $0x1  }
0xa5: {  	s24 =	simm.s32 $0x1B8B  }
0xa6: {  	_ =	swait.ge [sflag:s24], $0x1  }
0xa7: {  	[sflag:s24] =	ssyncset.done $0x0  }
0xa8: {  	s25 =	simm.s32 $0x1B8E;
	[sflag:s24] =	ssyncadd.s32 $0xFFFFFFFF  }
0xa9: {  	s26 =	simm.s32 $execute0_lowered;
	[smem:$0x3FD2] =	sst s25  }
0xaa: {  	s8 =	sshll.u32 s26, $0x1;
	_ =	strace $0x80000046;
	[dreg:$0x1] =	wrdreg $0xFFFFFFFF  }
0xab: {  	s28 =	simm.s32 $_size_execute0_lowered;
	s7 =	sadd.s32 s7, s8;
	[dreg:$0x0] =	wrdreg $0x0  }
0xac: {  	s8 =	sshll.u32 s28, $0x1;
	[dreg:$0x2] =	wrdreg s7  }
0xad: {  	[dreg:$0x3] =	wrdreg s8  }
0xae: {  	[dreg:$0x4] =	wrdreg $0xC0  }
0xaf: {  	_ =	task [dreg:s11], $0x5FFFF  }
0xb0: {  	[dreg:$0x1] =	wrdreg $0xFFFFFFFF  }
0xb1: {  	[dreg:$0x0] =	wrdreg $0x60  }
0xb2: {  	[dreg:$0x2] =	wrdreg s2  }
0xb3: {  	[dreg:$0x3] =	wrdreg s19  }
0xb4: {  	[dreg:$0x4] =	wrdreg s4  }
0xb5: {  	[dreg:$0x5] =	wrdreg s5  }
0xb6: {  	[dreg:$0x6] =	wrdreg s6  }
0xb7: {  	[dreg:$0x7] =	wrdreg $0x9  }
0xb8: {  	_ =	task.clear_ibuf [dreg:s11], $0x8FFFF;
	_ =	strace $0x90000046  }
0xb9: {  	s29 =	simm.s32 $0x9;
	_ =	strace $0x80000048  }
0xba: {  	_ =	swait.ge [sflag:s29], $0x1  }
0xbb: {  	[sflag:s29] =	ssyncadd.s32 $0xFFFFFFFF  }
0xbc: {  	_ =	strace $0x90000048  }
0xbd: {  	_ =	sfence  }
0xbe: {  	s30 =	sld [smem:$0x0];
	_ =	sdelay $0x2  }
0xbf: {  	s31 =	sshll.u32 s1, $0xD;
	s1 =	sshrl.u32 s1, $0x2  }
0xc0: {  	s3 =	sand.u32 $0x4000, s31;
	s1 =	sadd.s32 s1, s30  }
0xc1: {  	s0 =	sor.u32 s3, s0;
	s1 =	sshll.u32 s1, $0x11  }
0xc2: {  	s0 =	sor.u32 s1, s0  }
0xc3: {  	s0 =	sadd.s32 $0x8F2B, s0  }
0xc4: {  	[sflag:s0] =	ssyncadd.remote.s32 $0x1  }
0xc5: {  	_ =	sfence.sel $0xFFFF  }
0xc6: {  	[dreg:$0x0] =	wrdreg $0xFFFFFFFF;
	(pc) =	sbr.abs _section_cstart, $3  }
0xc7: {  	[dreg:$0x1] =	wrdreg $0xFFFFFFFF  }
0xc8: {  	_ =	task.clear_ibuf [dreg:s11], $0x2FFFF;
	_ =	strace $0x9FFFFFFF  }
0xc9: {  	(tm) =	ssettm $0x7FFFFFFF  }
tec
execute0_lowered:
.L_overlay_start_1:
0x0: {  	(tag) =	ssettag $0x1  }
0x1: {  	s0 =	rddreg [dreg:$0x0]  }
0x2: {  	s2 =	rddreg [dreg:$0x1]  }
0x3: {  	s1 =	rddreg [dreg:$0x2]  }
0x4: {  	s3 =	rddreg [dreg:$0x4]  }
0x5: {  	s5 =	srdreg.scid;
	s6 =	stileid.u32;
	s4 =	simm.s32 $0x0  }
0x6: {  	s11 =	simm.s32 $0x2200;
	s14 =	simm.s32 $0xC100;
	s15 =	simm.s32 $0x10900  }
0x7: {  	v0 =	vlaneseq.u32;
	s16 =	simm.s32 $0x1;
	s17 =	simm.s32 $0x3;
	s18 =	simm.s32 $0x7400  }
0x8: {  	s19 =	simm.s32 $0x4400;
	s20 =	simm.s32 $0x2;
	s21 =	simm.s32 $0x4;
	v1 =	vmul.u32 $0x10, v0  }
0x9: {  	s22 =	simm.s32 $0x5;
	s5 =	sand.u32 $0x1, s5;
	s6 =	sshll.u32 s6, $0x1  }
0xa: {  	v2 =	vimm.s32 $0x0;
	s23 =	simm.s32 $0x88;
	s24 =	simm.s32 $0x0;
	s6 =	sor.u32 s5, s6;
	v3 =	vor.u32 $0x800, v1  }
0xb: {  	[smem:$0x7FF] =	sst s4;
	s5 =	ssub.s32 $0x2, s5;
	s7 =	smul.u32 $0x440, s6;
	v4 =	vor.u32 $0x801, v1;
	v5 =	vor.u32 $0x802, v1;
	v6 =	vor.u32 $0x803, v1  }
0xc: {  	s8 =	sshrl.u32 s5, $0x1;
	s9 =	sshll.u32 s6, $0xD;
	s10 =	smul.u32 $0x600, s6;
	v7 =	vor.u32 $0x804, v1;
	v8 =	vor.u32 $0x805, v1;
	v9 =	vor.u32 $0x806, v1  }
0xd: {  	_ =	strace $0x80000047;
	v10 =	vor.u32 $0x807, v1;
	v11 =	vor.u32 $0x808, v1;
	v12 =	vor.u32 $0x809, v1;
	s5 =	ssub.s32 s5, s8;
	s6 =	sadd.s32 s2, s9  }
0xe: {  	v13 =	vor.u32 $0x80A, v1;
	v14 =	vor.u32 $0x80B, v1;
	v15 =	vor.u32 $0x80C, v1;
	s0 =	sadd.s32 s0, s7;
	s7 =	sadd.s32 $0x80, s6;
	s8 =	sadd.s32 s3, s10  }
0xf: {  	v16 =	vor.u32 $0x80D, v1;
	v17 =	vor.u32 $0x80E, v1;
	v18 =	vor.u32 $0x80F, v1;
	[tilespmem:$0x1FFF0] =	vst v3;
	s9 =	smax.u32 s5, $0x1;
	s10 =	simm.s32 $0x6;
	[dreg:$0x6] =	wrdreg s0  }
.LBB2_1:
0x10: {  	s0 =	rddreg [dreg:$0x6]  }
0x11: {  	[tilespmem:s4], [sflag:$0x6] =	stream.linear.gather [hbm4b:s0+s4], $0x2200, $0x38;
	[tilespmem:$0x10D00] =	vst v63  }
0x12: {  	_ =	swait.ge [sflag:s10], $0x2200  }
0x13: {  	[sflag:s10] =	ssyncset.done $0x0  }
0x14: {  	[sflag:s10] =	ssyncadd.s32 $0xFFFFDE00  }
0x15: {  	s29 =	rddreg [dreg:$0x3]  }
0x16: {  	[tilespmem:s11], [sflag:$0x5] =	stream.indirect.gather [hbm4b:s29+s11], $0x1, s4, s11, $0xb8;
	[tilespmem:$0x10D00] =	vst v63  }
0x17: {  	s30 =	simm.s32 $0x7D00  }
0x18: {  	[tilespmem:s30], [sflag:$0x1] =	stream.indirect.gather [hbm4b:s1+s23], $0x80, s4, s23, $0xb8;
	[tilespmem:$0x10D00] =	vst v63  }
0x19: {  	s31 =	simm.s32 $0x10500  }
0x1a: {  	[tilespmem:s31], [sflag:$0x3] =	stream.linear.gather [hbm4b:s6+s4], $0x400, $0x38;
	[tilespmem:$0x10D00] =	vst v63  }
0x1b: {  	_ = 	snop  }
0x1c: {  	[tilespmem:s14], [sflag:$0x2] =	stream.indirect.gather [hbm4b:s1+s23], $0x80, s23, s23, $0xb8;
	[tilespmem:$0x10D00] =	vst v63  }
0x1d: {  	s25 =	simm.s32 $0x88;
	s26 =	simm.s32 $0x0;
	s28 =	simm.s32 $0x0  }
0x1e: {  	[tilespmem:s15], [sflag:$0x4] =	stream.linear.gather [hbm4b:s7+s4], $0x400, $0x38;
	[tilespmem:$0x10D00] =	vst v63  }
.LBB2_2:
0x1f: {  	_ =	swait.ge [sflag:s16], $0x4400  }
0x20: {  	[sflag:s16] =	ssyncset.done $0x0  }
0x21: {  	[sflag:s16] =	ssyncadd.s32 $0xFFFFBC00  }
0x22: {  	_ =	swait.ge [sflag:s17], $0x400  }
0x23: {  	s29 =	simm.s32 $0x0;
	[sflag:s17] =	ssyncset.done $0x0  }
0x24: {  	s30 =	simm.s32 $0x7410;
	s31 =	simm.s32 $0x7D80;
	[sflag:s17] =	ssyncadd.s32 $0xFFFFFC00  }
.LBB2_3:
0x25: {  	v27 =	vld [tilespmem:s31+$0x0]  }
0x26: {  	v28 =	vld [tilespmem:s31+$0x10]  }
0x27: {  	v29 =	vld [tilespmem:s31+$0x20]  }
0x28: {  	v30 =	vld [tilespmem:s31+$0x30]  }
0x29: {  	v31 =	vld [tilespmem:s31+$0x40]  }
0x2a: {  	v32 =	vld [tilespmem:s31+$0x50]  }
0x2b: {  	v33 =	vld [tilespmem:s31+$0x60]  }
0x2c: {  	v34 =	vld [tilespmem:s31+$0x70]  }
0x2d: {  	v35 =	vld [tilespmem:s31+$0xFFFFFF90]  }
0x2e: {  	v36 =	vld [tilespmem:s31+$0xFFFFFFA0]  }
0x2f: {  	v37 =	vld [tilespmem:s31+$0xFFFFFFB0]  }
0x30: {  	s0 =	sshll.u32 s29, $0x7;
	v38 =	vld [tilespmem:s31+$0xFFFFFFC0]  }
0x31: {  	v39 =	vld [tilespmem:s31+$0xFFFFFFD0];
	s0 =	sand.u32 $0x3FFFFF80, s0  }
0x32: {  	v19 =	vld [tilespmem:s0+$0x10500]  }
0x33: {  	v20 =	vld [tilespmem:s0+$0x10510]  }
0x34: {  	v21 =	vld [tilespmem:s0+$0x10520]  }
0x35: {  	v22 =	vld [tilespmem:s0+$0x10530]  }
0x36: {  	v23 =	vld [tilespmem:s0+$0x10540]  }
0x37: {  	v24 =	vld [tilespmem:s0+$0x10550]  }
0x38: {  	v25 =	vld [tilespmem:s0+$0x10560]  }
0x39: {  	v26 =	vld [tilespmem:s0+$0x10570]  }
0x3a: {  	v40 =	vld [tilespmem:s31+$0xFFFFFFE0]  }
0x3b: {  	v41 =	vld [tilespmem:s31+$0xFFFFFFF0];
	v27 =	vmul.f32 v27, v19;
	v28 =	vmul.f32 v28, v20  }
0x3c: {  	v42 =	vld [tilespmem:s31+$0xFFFFFF80];
	s2 =	sadd.s32 $0x100, s31;
	v29 =	vmul.f32 v29, v21;
	v31 =	vmul.f32 v31, v23  }
0x3d: {  	v43 =	vld [tilespmem:s2+$0x0];
	v30 =	vmul.f32 v30, v22;
	v32 =	vmul.f32 v32, v24  }
0x3e: {  	v44 =	vld [tilespmem:s2+$0x10];
	v33 =	vmul.f32 v33, v25;
	v34 =	vmul.f32 v34, v26  }
0x3f: {  	v63 =	vld [tilespmem:s2+$0x30];
	v35 =	vmul.f32 v35, v20;
	v62 =	vmul.f32 v36, v21  }
0x40: {  	v47 =	vld [tilespmem:s2+$0x40];
	v45 =	vmul.f32 v37, v22;
	v46 =	vmul.f32 v38, v23  }
0x41: {  	v50 =	vld [tilespmem:s2+$0x50];
	v48 =	vmul.f32 v40, v25;
	v27 =	vadd.f32 v31, v27;
	v28 =	vadd.f32 v32, v28  }
0x42: {  	v53 =	vld [tilespmem:s2+$0x70];
	v49 =	vmul.f32 v41, v26;
	v51 =	vmul.f32 v42, v19;
	v29 =	vadd.f32 v33, v29  }
0x43: {  	v31 =	vld [tilespmem:s2+$0x20];
	v30 =	vadd.f32 v34, v30;
	v27 =	vadd.f32 v28, v27;
	v28 =	vmul.f32 v39, v24  }
0x44: {  	v52 =	vld [tilespmem:s2+$0x60];
	v32 =	vadd.f32 v48, v62;
	v33 =	vadd.f32 v49, v45  }
0x45: {  	v55 =	vld [tilespmem:s2+$0xFFFFFF90];
	v57 =	vmul.f32 v43, v19;
	v54 =	vadd.f32 v46, v51;
	v28 =	vadd.f32 v28, v35  }
0x46: {  	v59 =	vld [tilespmem:s2+$0xFFFFFFB0];
	v58 =	vmul.f32 v44, v20;
	v36 =	vmul.f32 v63, v22;
	v29 =	vadd.f32 v30, v29  }
0x47: {  	v56 =	vld [tilespmem:s2+$0xFFFFFFA0];
	v63 =	vmul.f32 v53, v26;
	v30 =	vadd.f32 v33, v32;
	v28 =	vadd.f32 v28, v54  }
0x48: {  	v29 =	vadd.f32 v29, v27;
	v27 =	vld [tilespmem:s2+$0xFFFFFFC0];
	v60 =	vmul.f32 v31, v21;
	v31 =	vmul.f32 v47, v23  }
0x49: {  	v62 =	vmul.f32 v52, v25;
	v61 =	vadd.f32 v30, v28;
	v30 =	vmul.f32 v50, v24;
	v28 =	vld [tilespmem:s2+$0xFFFFFFD0]  }
0x4a: {  	v38 =	vadd.f32 v63, v36;
	v32 =	vld [tilespmem:s2+$0xFFFFFFE0];
	v31 =	vadd.f32 v31, v57  }
0x4b: {  	s3 =	simm.s32 $0x2;
	v34 =	vld [tilespmem:s2+$0xFFFFFFF0];
	v33 =	vmul.f32 v59, v22;
	[tilespmem:s30+$0x0] =	vst v29;
	v37 =	vadd.f32 v62, v60;
	v35 =	vadd.f32 v30, v58  }
0x4c: {  	s12 =	sadd.s32 $0x100, s2;
	s0 =	smul.u32 $0x11, s29;
	v36 =	vld [tilespmem:s2+$0xFFFFFF80];
	v29 =	vmul.f32 v55, v20;
	s2 =	smov.u32 s30;
	v30 =	vmul.f32 v56, v21;
	[tilespmem:s30+$0xFFFFFFF0] =	vst v61  }
.LBB2_4:
0x4d: {  	v39 =	vld [tilespmem:s12+$0x0];
	v27 =	vmul.f32 v27, v23;
	v31 =	vadd.f32 v35, v31;
	v35 =	vadd.f32 v38, v37  }
0x4e: {  	v37 =	vld [tilespmem:s12+$0x10];
	v28 =	vmul.f32 v28, v24  }
0x4f: {  	v38 =	vld [tilespmem:s12+$0x20];
	v32 =	vmul.f32 v32, v25;
	v31 =	vadd.f32 v35, v31  }
0x50: {  	s2 =	sadd.s32 $0x20, s2;
	v35 =	vld [tilespmem:s12+$0x30];
	v28 =	vadd.f32 v28, v29;
	v29 =	vmul.f32 v34, v26  }
0x51: {  	v34 =	vld [tilespmem:s12+$0x40];
	v36 =	vmul.f32 v36, v19;
	v30 =	vadd.f32 v32, v30;
	[tilespmem:s2+$0x0] =	vst v31  }
0x52: {  	v31 =	vld [tilespmem:s12+$0x50];
	v29 =	vadd.f32 v29, v33  }
0x53: {  	v32 =	vld [tilespmem:s12+$0x60];
	v27 =	vadd.f32 v27, v36  }
0x54: {  	s3 =	sadd.s32 $0x2, s3;
	v33 =	vld [tilespmem:s12+$0x70];
	v29 =	vadd.f32 v29, v30  }
0x55: {  	p0 =	slt.u32 s3, $0xE;
	v30 =	vld [tilespmem:s12+$0xFFFFFF90];
	v27 =	vadd.f32 v28, v27  }
0x56: {  	v39 =	vmul.f32 v39, v19;
	v37 =	vmul.f32 v37, v20;
	v36 =	vld [tilespmem:s12+$0xFFFFFFA0]  }
0x57: {  	v38 =	vmul.f32 v38, v21;
	v41 =	vmul.f32 v35, v22;
	v40 =	vld [tilespmem:s12+$0xFFFFFFB0];
	v29 =	vadd.f32 v29, v27  }
.Ltmp0:
0x58: {  	v34 =	vmul.f32 v34, v23;
	v35 =	vmul.f32 v31, v24;
	v27 =	vld [tilespmem:s12+$0xFFFFFFC0];
	(pc) =	sbr.rel @p0 .LBB2_4-.Ltmp0, $4  }
0x59: {  	v42 =	vmul.f32 v32, v25;
	v28 =	vld [tilespmem:s12+$0xFFFFFFD0];
	v33 =	vmul.f32 v33, v26;
	[tilespmem:s2+$0xFFFFFFF0] =	vst v29  }
0x5a: {  	v31 =	vadd.f32 v34, v39;
	v35 =	vadd.f32 v35, v37;
	v29 =	vmul.f32 v30, v20;
	v32 =	vld [tilespmem:s12+$0xFFFFFFE0]  }
0x5b: {  	v37 =	vadd.f32 v42, v38;
	v30 =	vmul.f32 v36, v21;
	v34 =	vld [tilespmem:s12+$0xFFFFFFF0];
	v38 =	vadd.f32 v33, v41  }
0x5c: {  	v36 =	vld [tilespmem:s12+$0xFFFFFF80];
	v33 =	vmul.f32 v40, v22;
	s12 =	sadd.s32 $0x100, s12  }
0x5d: {  	_ =	sdelay $0x1  }
0x5e: {  	v27 =	vmul.f32 v27, v23  }
0x5f: {  	v28 =	vmul.f32 v28, v24;
	v32 =	vmul.f32 v32, v25  }
0x60: {  	v34 =	vmul.f32 v34, v26;
	v36 =	vmul.f32 v36, v19  }
0x61: {  	v28 =	vadd.f32 v28, v29;
	v50 =	vadd.f32 v32, v30  }
0x62: {  	v51 =	vadd.f32 v34, v33;
	v27 =	vadd.f32 v27, v36  }
0x63: {  	v31 =	vadd.f32 v35, v31;
	v52 =	vadd.f32 v38, v37  }
0x64: {  	v29 =	vadd.f32 v51, v50;
	v27 =	vadd.f32 v28, v27  }
0x65: {  	v53 =	vadd.f32 v52, v31  }
0x66: {  	s2 =	sadd.s32 $0x20, s2;
	s0 =	sadd.s32 $0x10, s0;
	v27 =	vadd.f32 v29, v27  }
0x67: {  	s3 =	sshll.u32 s0, $0x7;
	[tilespmem:s2+$0x0] =	vst v53  }
0x68: {  	s13 =	sand.u32 $0x3FFFFF80, s3;
	[tilespmem:s2+$0xFFFFFFF0] =	vst v27  }
0x69: {  	v27 =	vld [tilespmem:s13+$0x7D00]  }
0x6a: {  	v28 =	vld [tilespmem:s13+$0x7D10]  }
0x6b: {  	v54 =	vld [tilespmem:s13+$0x7D20]  }
0x6c: {  	v55 =	vld [tilespmem:s13+$0x7D30]  }
0x6d: {  	v56 =	vld [tilespmem:s13+$0x7D40]  }
0x6e: {  	v57 =	vld [tilespmem:s13+$0x7D50]  }
0x6f: {  	v58 =	vld [tilespmem:s13+$0x7D60]  }
0x70: {  	v59 =	vld [tilespmem:s13+$0x7D70];
	_ =	sdelay $0x1  }
0x71: {  	v19 =	vmul.f32 v27, v19;
	v20 =	vmul.f32 v28, v20  }
0x72: {  	v21 =	vmul.f32 v54, v21;
	v22 =	vmul.f32 v55, v22  }
0x73: {  	v60 =	vmul.f32 v56, v23;
	v61 =	vmul.f32 v57, v24  }
0x74: {  	v62 =	vmul.f32 v58, v25;
	v63 =	vmul.f32 v59, v26  }
0x75: {  	v19 =	vadd.f32 v60, v19;
	v20 =	vadd.f32 v61, v20  }
0x76: {  	s29 =	sadd.s32 $0x1, s29;
	v21 =	vadd.f32 v62, v21;
	v22 =	vadd.f32 v63, v22  }
0x77: {  	p0 =	seq.s32 s29, $0x8  }
.Ltmp1:
0x78: {  	v19 =	vadd.f32 v20, v19;
	v20 =	vadd.f32 v22, v21;
	(pc) =	sbr.rel @!p0 .LBB2_3-.Ltmp1, $4  }
0x79: {  	_ = 	snop  }
0x7a: {  	s0 =	sshll.u32 s0, $0x4;
	v19 =	vadd.f32 v20, v19  }
0x7b: {  	s0 =	sand.u32 $0x3FFFFFF0, s0  }
0x7c: {  	s30 =	sadd.s32 $0x110, s30;
	s31 =	sadd.s32 $0x880, s31;
	[tilespmem:s0+$0x7400] =	vst v19  }
0x7d: {  	s0 =	simm.s32 $0x0  }
0x7e: {  	v19 =	vmov s0  }
0x7f: {  	v19 =	vshll.u32 v19, $0x4  }
0x80: {  	v20 =	vor.u32 v1, v19  }
0x81: {  	v19 =	vor.u32 $0x1, v20;
	_ =	sdelay $0x1  }
0x82: {  	v21 =	vor.u32 $0x2, v20;
	_ =	sdelay $0x1  }
0x83: {  	v23 =	vor.u32 $0x3, v20;
	v22 =	vld.idx.msk [tilespmem:v20+s18+$0x0], $0xffff  }
0x84: {  	v19 =	vld.idx.msk [tilespmem:v19+s18+$0x0], $0xffff  }
0x85: {  	v24 =	vor.u32 $0x4, v20  }
0x86: {  	v21 =	vld.idx.msk [tilespmem:v21+s18+$0x0], $0xffff  }
0x87: {  	v25 =	vor.u32 $0x5, v20  }
0x88: {  	v23 =	vld.idx.msk [tilespmem:v23+s18+$0x0], $0xffff  }
0x89: {  	v26 =	vor.u32 $0x6, v20;
	v19 =	vadd.f32 v19, v22  }
0x8a: {  	s0 =	simm.s32 $0x10;
	v22 =	vld.idx.msk [tilespmem:v24+s18+$0x0], $0xffff  }
0x8b: {  	v27 =	vor.u32 $0x7, v20;
	v24 =	vmov s0;
	v21 =	vadd.f32 v21, v19  }
0x8c: {  	v19 =	vshll.u32 v24, $0x4;
	v24 =	vld.idx.msk [tilespmem:v25+s18+$0x0], $0xffff;
	v25 =	vor.u32 $0x8, v20  }
0x8d: {  	v19 =	vor.u32 v1, v19;
	v21 =	vadd.f32 v23, v21  }
0x8e: {  	v23 =	vld.idx.msk [tilespmem:v26+s18+$0x0], $0xffff;
	v26 =	vor.u32 $0x9, v20  }
0x8f: {  	v28 =	vor.u32 $0x1, v19;
	v21 =	vadd.f32 v22, v21  }
0x90: {  	v27 =	vld.idx.msk [tilespmem:v27+s18+$0x0], $0xffff;
	v22 =	vor.u32 $0xA, v20  }
0x91: {  	v29 =	vor.u32 $0x2, v19;
	v21 =	vadd.f32 v24, v21;
	v24 =	vld.idx.msk [tilespmem:v25+s18+$0x0], $0xffff  }
0x92: {  	v31 =	vor.u32 $0x3, v19;
	v30 =	vld.idx.msk [tilespmem:v19+s18+$0x0], $0xffff  }
0x93: {  	s3 =	sadd.s32 $0x0, s26;
	v25 =	vor.u32 $0xB, v20;
	v21 =	vadd.f32 v23, v21;
	v23 =	vld.idx.msk [tilespmem:v26+s18+$0x0], $0xffff  }
0x94: {  	v32 =	vor.u32 s3, v0;
	v26 =	vld.idx.msk [tilespmem:v28+s18+$0x0], $0xffff;
	v28 =	vor.u32 $0xC, v20  }
0x95: {  	s2 =	simm.s32 $0x20;
	v33 =	vor.u32 $0x4, v19;
	v34 =	vld.idx.msk [tilespmem:v22+s18+$0x0], $0xffff;
	v22 =	vmulhi.u32 $0xF0F0F0F1, v32;
	v21 =	vadd.f32 v27, v21  }
0x96: {  	v36 =	vor.u32 $0xD, v20;
	v38 =	vor.u32 $0x5, v19;
	v35 =	vld.idx.msk [tilespmem:v29+s18+$0x0], $0xffff;
	v27 =	vmov s2  }
0x97: {  	v22 =	vshrl.u32 v22, $0x4;
	v39 =	vshll.u32 v27, $0x4;
	v27 =	vld.idx.msk [tilespmem:v31+s18+$0x0], $0xffff;
	v21 =	vadd.f32 v24, v21  }
0x98: {  	v37 =	vmov s3;
	v40 =	vor.u32 $0xE, v20;
	v24 =	vld.idx.msk [tilespmem:v25+s18+$0x0], $0xffff;
	v31 =	vmul.u32 $0xFFFFFFEF, v22  }
0x99: {  	vm0 =	veq.s32 v37, v0;
	v29 =	vor.u32 $0x6, v19;
	v25 =	vld.idx.msk [tilespmem:v28+s18+$0x0], $0xffff;
	v41 =	vadd.f32 v23, v21  }
0x9a: {  	v62 =	vadd.f32 v26, v30;
	v28 =	vld.idx.msk [tilespmem:v33+s18+$0x0], $0xffff;
	v21 =	vor.u32 $0xF, v20;
	v23 =	vadd.s32 v32, v31  }
0x9b: {  	v30 =	vor.u32 $0x7, v19;
	v26 =	vld.idx.msk [tilespmem:v36+s18+$0x0], $0xffff;
	vm1 =	vne.s32 v23, $0x0;
	v63 =	vadd.f32 v34, v41  }
0x9c: {  	v20 =	vor.u32 v1, v39;
	v31 =	vld.idx.msk [tilespmem:v38+s18+$0x0], $0xffff;
	v34 =	vadd.f32 v35, v62;
	vm0 =	vmand vm0, vm1  }
0x9d: {  	s29 =	smul.u32 $0x110, s28;
	s3 =	simm.s32 $0x30;
	v32 =	vor.u32 $0x8, v19;
	v35 =	vsel vm0, $0xFFFFFFFF, v2;
	v33 =	vadd.f32 v24, v63;
	v24 =	vld.idx.msk [tilespmem:v40+s18+$0x0], $0xffff  }
.LBB2_7:
0x9e: {  	p0 =	sne.s32 s3, $0x70;
	v27 =	vadd.f32 v27, v34;
	v29 =	vld.idx.msk [tilespmem:v29+s18+$0x0], $0xffff;
	v34 =	vor.u32 $0xA, v19;
	v22 =	vadd.s32 v35, v22  }
0x9f: {  	v35 =	vor.u32 $0x9, v19;
	v25 =	vadd.f32 v25, v33;
	v21 =	vld.idx.msk [tilespmem:v21+s18+$0x0], $0xffff;
	v22 =	vmul.u32 $0x18, v22  }
0xa0: {  	v33 =	vor.u32 $0x1, v20;
	v27 =	vadd.f32 v28, v27;
	v28 =	vld.idx.msk [tilespmem:v30+s18+$0x0], $0xffff;
	v30 =	vand.u32 $0x18, v23  }
0xa1: {  	v23 =	vand.u32 $0x7, v23;
	v25 =	vadd.f32 v26, v25;
	v22 =	vadd.s32 v30, v22  }
0xa2: {  	v26 =	vor.u32 $0x2, v20;
	v27 =	vadd.f32 v31, v27;
	v30 =	vld.idx.msk [tilespmem:v32+s18+$0x0], $0xffff;
	v22 =	vor.u32 v23, v22  }
0xa3: {  	v31 =	vor.u32 $0xB, v19;
	v23 =	vld.idx.msk [tilespmem:v20+s18+$0x0], $0xffff;
	v24 =	vadd.f32 v24, v25  }
0xa4: {  	s5 =	sadd.s32 s0, s26;
	s0 =	smov.u32 s2;
	s2 =	smov.u32 s3;
	v25 =	vor.u32 $0x3, v20;
	v27 =	vadd.f32 v29, v27;
	v32 =	vld.idx.msk [tilespmem:v35+s18+$0x0], $0xffff  }
0xa5: {  	v36 =	vor.u32 s5, v0;
	v35 =	vor.u32 $0xC, v19;
	v33 =	vld.idx.msk [tilespmem:v33+s18+$0x0], $0xffff;
	v21 =	vadd.f32 v21, v24  }
0xa6: {  	v24 =	vor.u32 $0x4, v20;
	v27 =	vadd.f32 v28, v27;
	v34 =	vld.idx.msk [tilespmem:v34+s18+$0x0], $0xffff;
	v28 =	vmulhi.u32 $0xF0F0F0F1, v36  }
0xa7: {  	v38 =	vmov s5;
	v29 =	vmov s3;
	v37 =	vld.idx.msk [tilespmem:v26+s18+$0x0], $0xffff;
	v26 =	vor.u32 $0xD, v19;
	[tilespmem:v22+s19+$0x0] =	vst.idx.msk $0xffff, v21  }
0xa8: {  	v39 =	vor.u32 $0x5, v20;
	v21 =	vadd.f32 v30, v27;
	v40 =	vld.idx.msk [tilespmem:v31+s18+$0x0], $0xffff;
	v22 =	vshrl.u32 v28, $0x4  }
0xa9: {  	v41 =	vor.u32 $0xE, v19;
	v31 =	vshll.u32 v29, $0x4;
	v27 =	vld.idx.msk [tilespmem:v25+s18+$0x0], $0xffff;
	v30 =	vmul.u32 $0xFFFFFFEF, v22  }
.Ltmp2:
0xaa: {  	vm0 =	veq.s32 v38, v0;
	v29 =	vor.u32 $0x6, v20;
	v32 =	vadd.f32 v32, v21;
	v25 =	vld.idx.msk [tilespmem:v35+s18+$0x0], $0xffff;
	(pc) =	sbr.rel @p0 .LBB2_7-.Ltmp2, $4  }
0xab: {  	v33 =	vadd.f32 v33, v23;
	v21 =	vor.u32 $0xF, v19;
	v19 =	vmovc v20;
	v28 =	vld.idx.msk [tilespmem:v24+s18+$0x0], $0xffff;
	v23 =	vadd.s32 v36, v30  }
0xac: {  	v30 =	vor.u32 $0x7, v19;
	v24 =	vadd.f32 v34, v32;
	v26 =	vld.idx.msk [tilespmem:v26+s18+$0x0], $0xffff;
	vm1 =	vne.s32 v23, $0x0  }
0xad: {  	v20 =	vor.u32 v1, v31;
	v34 =	vadd.f32 v37, v33;
	v31 =	vld.idx.msk [tilespmem:v39+s18+$0x0], $0xffff;
	vm0 =	vmand vm0, vm1  }
0xae: {  	s3 =	sadd.s32 $0x10, s3;
	v32 =	vor.u32 $0x8, v19;
	v33 =	vadd.f32 v40, v24;
	v24 =	vld.idx.msk [tilespmem:v41+s18+$0x0], $0xffff;
	v35 =	vsel vm0, $0xFFFFFFFF, v2  }
0xaf: {  	v36 =	vor.u32 $0x1, v20;
	_ =	sdelay $0x1  }
0xb0: {  	v37 =	vor.u32 $0x2, v20;
	_ =	sdelay $0x1  }
0xb1: {  	v38 =	vld.idx.msk [tilespmem:v20+s18+$0x0], $0xffff;
	v39 =	vor.u32 $0x3, v20  }
0xb2: {  	v36 =	vld.idx.msk [tilespmem:v36+s18+$0x0], $0xffff  }
0xb3: {  	v40 =	vor.u32 $0x4, v20  }
0xb4: {  	v27 =	vadd.f32 v27, v34;
	v54 =	vld.idx.msk [tilespmem:v37+s18+$0x0], $0xffff  }
0xb5: {  	v55 =	vor.u32 $0x5, v20;
	v56 =	vor.u32 $0x9, v19;
	v22 =	vadd.s32 v35, v22  }
0xb6: {  	v58 =	vor.u32 $0x6, v20;
	v59 =	vor.u32 $0xA, v19;
	v61 =	vor.u32 $0x7, v20;
	v39 =	vld.idx.msk [tilespmem:v39+s18+$0x0], $0xffff  }
0xb7: {  	v29 =	vld.idx.msk [tilespmem:v29+s18+$0x0], $0xffff;
	v62 =	vand.u32 $0x18, v23;
	v63 =	vand.u32 $0x7, v23;
	v57 =	vadd.f32 v36, v38  }
0xb8: {  	v41 =	vor.u32 $0xB, v19;
	v43 =	vor.u32 $0x9, v20;
	v27 =	vadd.f32 v28, v27;
	v60 =	vld.idx.msk [tilespmem:v40+s18+$0x0], $0xffff  }
0xb9: {  	v30 =	vld.idx.msk [tilespmem:v30+s18+$0x0], $0xffff;
	v46 =	vor.u32 $0xC, v19;
	v49 =	vor.u32 $0xA, v20;
	v34 =	vadd.f32 v54, v57  }
0xba: {  	v52 =	vor.u32 $0xB, v20;
	v25 =	vadd.f32 v25, v33;
	v27 =	vadd.f32 v31, v27;
	v37 =	vld.idx.msk [tilespmem:v55+s18+$0x0], $0xffff  }
0xbb: {  	v32 =	vld.idx.msk [tilespmem:v32+s18+$0x0], $0xffff;
	s0 =	sadd.s32 s0, s26;
	v22 =	vmul.u32 $0x18, v22;
	v40 =	vor.u32 $0x8, v20;
	v34 =	vadd.f32 v39, v34  }
0xbc: {  	s12 =	sadd.s32 s2, s26;
	v42 =	vor.u32 s0, v0;
	v48 =	vmov s0;
	v27 =	vadd.f32 v29, v27;
	v36 =	vld.idx.msk [tilespmem:v58+s18+$0x0], $0xffff  }
0xbd: {  	v53 =	vor.u32 s12, v0;
	v44 =	vmulhi.u32 $0xF0F0F0F1, v42;
	v28 =	vld.idx.msk [tilespmem:v56+s18+$0x0], $0xffff;
	v33 =	vadd.f32 v60, v34  }
0xbe: {  	vm0 =	veq.s32 v48, v0;
	v25 =	vadd.f32 v26, v25;
	v45 =	vld.idx.msk [tilespmem:v61+s18+$0x0], $0xffff;
	v27 =	vadd.f32 v30, v27  }
0xbf: {  	v22 =	vadd.s32 v62, v22;
	v62 =	vor.u32 $0xE, v20;
	v31 =	vld.idx.msk [tilespmem:v59+s18+$0x0], $0xffff;
	v47 =	vadd.f32 v37, v33  }
0xc0: {  	v22 =	vor.u32 v63, v22;
	v23 =	vadd.f32 v24, v25;
	v27 =	vadd.f32 v32, v27;
	v29 =	vld.idx.msk [tilespmem:v40+s18+$0x0], $0xffff  }
0xc1: {  	v24 =	vshrl.u32 v44, $0x4;
	v26 =	vld.idx.msk [tilespmem:v41+s18+$0x0], $0xffff;
	v55 =	vmulhi.u32 $0xF0F0F0F1, v53;
	v51 =	vadd.f32 v36, v47  }
0xc2: {  	v56 =	vor.u32 $0xC, v20;
	v61 =	vmov s12;
	v30 =	vld.idx.msk [tilespmem:v43+s18+$0x0], $0xffff;
	v27 =	vadd.f32 v28, v27  }
0xc3: {  	v50 =	vmul.u32 $0xFFFFFFEF, v24;
	vm14 =	veq.s32 v61, v0;
	v57 =	vld.idx.msk [tilespmem:v46+s18+$0x0], $0xffff;
	v25 =	vadd.f32 v45, v51  }
0xc4: {  	v35 =	vld.idx.msk [tilespmem:v49+s18+$0x0], $0xffff;
	v58 =	vor.u32 $0xD, v20;
	v54 =	vor.u32 $0xD, v19;
	v27 =	vadd.f32 v31, v27  }
0xc5: {  	v20 =	vor.u32 $0xF, v20;
	v28 =	vshrl.u32 v55, $0x4;
	v25 =	vadd.f32 v29, v25  }
0xc6: {  	v32 =	vld.idx.msk [tilespmem:v52+s18+$0x0], $0xffff;
	v59 =	vmul.u32 $0xFFFFFFEF, v28;
	v26 =	vadd.f32 v26, v27;
	v60 =	vor.u32 $0xE, v19  }
0xc7: {  	v21 =	vld.idx.msk [tilespmem:v21+s18+$0x0], $0xffff;
	v19 =	vor.u32 $0xF, v19;
	v37 =	vadd.s32 v42, v50;
	v25 =	vadd.f32 v30, v25  }
0xc8: {  	v31 =	vld.idx.msk [tilespmem:v56+s18+$0x0], $0xffff;
	v33 =	vadd.s32 v53, v59;
	v26 =	vadd.f32 v57, v26;
	vm1 =	vne.s32 v37, $0x0  }
0xc9: {  	vm15 =	vne.s32 v33, $0x0;
	vm0 =	vmand vm0, vm1;
	v36 =	vld.idx.msk [tilespmem:v54+s18+$0x0], $0xffff;
	v25 =	vadd.f32 v35, v25  }
0xca: {  	v40 =	vld.idx.msk [tilespmem:v58+s18+$0x0], $0xffff;
	v42 =	vand.u32 $0x18, v37;
	v63 =	vsel vm0, $0xFFFFFFFF, v2;
	vm0 =	vmand vm14, vm15  }
0xcb: {  	v27 =	vld.idx.msk [tilespmem:v60+s18+$0x0], $0xffff;
	v24 =	vadd.s32 v63, v24;
	v41 =	vsel vm0, $0xFFFFFFFF, v2;
	v25 =	vadd.f32 v32, v25  }
0xcc: {  	v44 =	vld.idx.msk [tilespmem:v62+s18+$0x0], $0xffff;
	v43 =	vand.u32 $0x7, v37;
	v24 =	vmul.u32 $0x18, v24;
	v28 =	vadd.s32 v41, v28  }
0xcd: {  	v46 =	vand.u32 $0x7, v33;
	v19 =	vld.idx.msk [tilespmem:v19+s18+$0x0], $0xffff;
	v28 =	vmul.u32 $0x18, v28;
	v25 =	vadd.f32 v31, v25  }
0xce: {  	v20 =	vld.idx.msk [tilespmem:v20+s18+$0x0], $0xffff;
	v45 =	vand.u32 $0x18, v33;
	v24 =	vadd.s32 v42, v24;
	v26 =	vadd.f32 v36, v26  }
0xcf: {  	v24 =	vor.u32 v43, v24;
	v28 =	vadd.s32 v45, v28;
	v25 =	vadd.f32 v40, v25  }
0xd0: {  	v26 =	vadd.f32 v27, v26;
	v47 =	vor.u32 v46, v28  }
0xd1: {  	v21 =	vadd.f32 v21, v23;
	v48 =	vadd.f32 v44, v25  }
0xd2: {  	v19 =	vadd.f32 v19, v26  }
0xd3: {  	[tilespmem:v22+s19+$0x0] =	vst.idx.msk $0xffff, v21;
	v20 =	vadd.f32 v20, v48  }
0xd4: {  	[tilespmem:v24+s19+$0x0] =	vst.idx.msk $0xffff, v19  }
0xd5: {  	[tilespmem:v47+s19+$0x0] =	vst.idx.msk $0xffff, v20  }
0xd6: {  	v19 =	vld.idx.msk [tilespmem:v3+s18+$0x0], $0xffff  }
0xd7: {  	v20 =	vld.idx.msk [tilespmem:v4+s18+$0x0], $0xffff;
	_ =	sdelay $0x1  }
0xd8: {  	v21 =	vld.idx.msk [tilespmem:v5+s18+$0x0], $0xffff;
	_ =	sdelay $0x1  }
0xd9: {  	v22 =	vld.idx.msk [tilespmem:v6+s18+$0x0], $0xffff  }
0xda: {  	v19 =	vadd.f32 v20, v19  }
0xdb: {  	v20 =	vld.idx.msk [tilespmem:v7+s18+$0x0], $0xffff  }
0xdc: {  	v19 =	vadd.f32 v21, v19  }
0xdd: {  	v49 =	vld.idx.msk [tilespmem:v8+s18+$0x0], $0xffff  }
0xde: {  	v19 =	vadd.f32 v22, v19  }
0xdf: {  	v50 =	vld.idx.msk [tilespmem:v9+s18+$0x0], $0xffff  }
0xe0: {  	v19 =	vadd.f32 v20, v19  }
0xe1: {  	v20 =	vld.idx.msk [tilespmem:v10+s18+$0x0], $0xffff  }
0xe2: {  	v19 =	vadd.f32 v49, v19  }
0xe3: {  	v51 =	vld.idx.msk [tilespmem:v11+s18+$0x0], $0xffff  }
0xe4: {  	v19 =	vadd.f32 v50, v19  }
0xe5: {  	v52 =	vld.idx.msk [tilespmem:v12+s18+$0x0], $0xffff  }
0xe6: {  	s13 =	sadd.s32 $0x80, s29;
	v19 =	vadd.f32 v20, v19  }
0xe7: {  	v53 =	vmov s13;
	v20 =	vld.idx.msk [tilespmem:v13+s18+$0x0], $0xffff  }
0xe8: {  	v54 =	vbroadcast v53, $0x0;
	v19 =	vadd.f32 v51, v19  }
0xe9: {  	v55 =	vld.idx.msk [tilespmem:v14+s18+$0x0], $0xffff  }
0xea: {  	v21 =	vor.u32 v0, v54;
	v19 =	vadd.f32 v52, v19  }
0xeb: {  	v56 =	vld.idx.msk [tilespmem:v15+s18+$0x0], $0xffff;
	v57 =	vmulhi.u32 $0xF0F0F0F1, v21  }
0xec: {  	v19 =	vadd.f32 v20, v19  }
0xed: {  	v24 =	vshrl.u32 v57, $0x4;
	v20 =	vld.idx.msk [tilespmem:v16+s18+$0x0], $0xffff  }
0xee: {  	v58 =	vmul.u32 $0xFFFFFFEF, v24;
	v19 =	vadd.f32 v55, v19  }
0xef: {  	v59 =	vld.idx.msk [tilespmem:v17+s18+$0x0], $0xffff  }
0xf0: {  	v60 =	vmul.u32 $0x18, v24;
	v21 =	vadd.s32 v21, v58;
	v19 =	vadd.f32 v56, v19  }
0xf1: {  	v61 =	vld.idx.msk [tilespmem:v18+s18+$0x0], $0xffff;
	v62 =	vand.u32 $0x18, v21  }
0xf2: {  	v63 =	vadd.s32 v62, v60;
	v19 =	vadd.f32 v20, v19;
	v20 =	vand.u32 $0x7, v21  }
0xf3: {  	v20 =	vor.u32 v20, v63  }
0xf4: {  	s30 =	sshll.u32 s28, $0x1;
	p0 =	seq.s32 s28, $0x1F;
	v19 =	vadd.f32 v59, v19  }
0xf5: {  	s0 =	sadd.s32 @!p0 $0x2, s30  }
0xf6: {  	s2 =	smul.u32 @!p0 $0x220, s0;
	v19 =	vadd.f32 v61, v19  }
0xf7: {  	s3 =	simm.s32 @!p0 $0x88  }
0xf8: {  	s5 =	simm.s32 @!p0 $0x7D00;
	s0 =	sshll.u32 @!p0 s0, $0x7;
	s2 =	sshra.s32 @!p0 s2, $0x2;
	[tilespmem:v20+s19+$0x0] =	vst.idx.msk $0xff, v19  }
0xf9: {  	[tilespmem:s5], [sflag:$0x1] =	stream.indirect.gather @!p0 [hbm4b:s1+s3], $0x80, s2, s3, $0xb8;
	[tilespmem:$0x10D00] =	vst v63  }
0xfa: {  	s0 =	sadd.s32 @!p0 s0, s6;
	s2 =	simm.s32 @!p0 $0x0;
	s3 =	simm.s32 @!p0 $0x10500  }
0xfb: {  	[tilespmem:s3], [sflag:$0x3] =	stream.linear.gather @!p0 [hbm4b:s0+s2], $0x400, $0x38;
	[tilespmem:$0x10D00] =	vst v63  }
0xfc: {  	_ =	swait.ge [sflag:s20], $0x4400  }
0xfd: {  	[sflag:s20] =	ssyncset.done $0x0  }
0xfe: {  	[sflag:s20] =	ssyncadd.s32 $0xFFFFBC00  }
0xff: {  	_ =	swait.ge [sflag:s21], $0x400  }
0x100: {  	s31 =	simm.s32 $0x0;
	[sflag:s21] =	ssyncset.done $0x0  }
0x101: {  	s12 =	simm.s32 $0x7410;
	s2 =	simm.s32 $0xC180;
	[sflag:s21] =	ssyncadd.s32 $0xFFFFFC00  }
.LBB2_9:
0x102: {  	v27 =	vld [tilespmem:s2+$0x0]  }
0x103: {  	v28 =	vld [tilespmem:s2+$0x10]  }
0x104: {  	v29 =	vld [tilespmem:s2+$0x20]  }
0x105: {  	v30 =	vld [tilespmem:s2+$0x30]  }
0x106: {  	v31 =	vld [tilespmem:s2+$0x40]  }
0x107: {  	v32 =	vld [tilespmem:s2+$0x50]  }
0x108: {  	v33 =	vld [tilespmem:s2+$0x60]  }
0x109: {  	v34 =	vld [tilespmem:s2+$0x70]  }
0x10a: {  	v35 =	vld [tilespmem:s2+$0xFFFFFF90]  }
0x10b: {  	v36 =	vld [tilespmem:s2+$0xFFFFFFA0]  }
0x10c: {  	v37 =	vld [tilespmem:s2+$0xFFFFFFB0]  }
0x10d: {  	s0 =	sshll.u32 s31, $0x7;
	v38 =	vld [tilespmem:s2+$0xFFFFFFC0]  }
0x10e: {  	v39 =	vld [tilespmem:s2+$0xFFFFFFD0];
	s0 =	sand.u32 $0x3FFFFF80, s0  }
0x10f: {  	v19 =	vld [tilespmem:s0+$0x10900]  }
0x110: {  	v20 =	vld [tilespmem:s0+$0x10910]  }
0x111: {  	v21 =	vld [tilespmem:s0+$0x10920]  }
0x112: {  	v22 =	vld [tilespmem:s0+$0x10930]  }
0x113: {  	v23 =	vld [tilespmem:s0+$0x10940]  }
0x114: {  	v24 =	vld [tilespmem:s0+$0x10950]  }
0x115: {  	v25 =	vld [tilespmem:s0+$0x10960]  }
0x116: {  	v26 =	vld [tilespmem:s0+$0x10970]  }
0x117: {  	v40 =	vld [tilespmem:s2+$0xFFFFFFE0]  }
0x118: {  	v41 =	vld [tilespmem:s2+$0xFFFFFFF0];
	v27 =	vmul.f32 v27, v19;
	v28 =	vmul.f32 v28, v20  }
0x119: {  	v42 =	vld [tilespmem:s2+$0xFFFFFF80];
	s5 =	sadd.s32 $0x100, s2;
	v29 =	vmul.f32 v29, v21;
	v31 =	vmul.f32 v31, v23  }
0x11a: {  	v43 =	vld [tilespmem:s5+$0x0];
	v30 =	vmul.f32 v30, v22;
	v32 =	vmul.f32 v32, v24  }
0x11b: {  	v44 =	vld [tilespmem:s5+$0x10];
	v33 =	vmul.f32 v33, v25;
	v34 =	vmul.f32 v34, v26  }
0x11c: {  	v63 =	vld [tilespmem:s5+$0x30];
	v35 =	vmul.f32 v35, v20;
	v62 =	vmul.f32 v36, v21  }
0x11d: {  	v47 =	vld [tilespmem:s5+$0x40];
	v45 =	vmul.f32 v37, v22;
	v46 =	vmul.f32 v38, v23  }
0x11e: {  	v50 =	vld [tilespmem:s5+$0x50];
	v48 =	vmul.f32 v40, v25;
	v27 =	vadd.f32 v31, v27;
	v28 =	vadd.f32 v32, v28  }
0x11f: {  	v53 =	vld [tilespmem:s5+$0x70];
	v49 =	vmul.f32 v41, v26;
	v51 =	vmul.f32 v42, v19;
	v29 =	vadd.f32 v33, v29  }
0x120: {  	v31 =	vld [tilespmem:s5+$0x20];
	v30 =	vadd.f32 v34, v30;
	v27 =	vadd.f32 v28, v27;
	v28 =	vmul.f32 v39, v24  }
0x121: {  	v52 =	vld [tilespmem:s5+$0x60];
	v32 =	vadd.f32 v48, v62;
	v33 =	vadd.f32 v49, v45  }
0x122: {  	v55 =	vld [tilespmem:s5+$0xFFFFFF90];
	v57 =	vmul.f32 v43, v19;
	v54 =	vadd.f32 v46, v51;
	v28 =	vadd.f32 v28, v35  }
0x123: {  	v59 =	vld [tilespmem:s5+$0xFFFFFFB0];
	v58 =	vmul.f32 v44, v20;
	v36 =	vmul.f32 v63, v22;
	v29 =	vadd.f32 v30, v29  }
0x124: {  	v56 =	vld [tilespmem:s5+$0xFFFFFFA0];
	v63 =	vmul.f32 v53, v26;
	v30 =	vadd.f32 v33, v32;
	v28 =	vadd.f32 v28, v54  }
0x125: {  	v29 =	vadd.f32 v29, v27;
	v27 =	vld [tilespmem:s5+$0xFFFFFFC0];
	v60 =	vmul.f32 v31, v21;
	v31 =	vmul.f32 v47, v23  }
0x126: {  	v62 =	vmul.f32 v52, v25;
	v61 =	vadd.f32 v30, v28;
	v30 =	vmul.f32 v50, v24;
	v28 =	vld [tilespmem:s5+$0xFFFFFFD0]  }
0x127: {  	v38 =	vadd.f32 v63, v36;
	v32 =	vld [tilespmem:s5+$0xFFFFFFE0];
	v31 =	vadd.f32 v31, v57  }
0x128: {  	s3 =	smul.u32 $0x11, s31;
	v34 =	vld [tilespmem:s5+$0xFFFFFFF0];
	v33 =	vmul.f32 v59, v22;
	[tilespmem:s12+$0x0] =	vst v29;
	v37 =	vadd.f32 v62, v60;
	v35 =	vadd.f32 v30, v58  }
0x129: {  	s13 =	simm.s32 $0x2;
	s0 =	smov.u32 s12;
	v36 =	vld [tilespmem:s5+$0xFFFFFF80];
	v29 =	vmul.f32 v55, v20;
	s5 =	sadd.s32 $0x100, s5;
	v30 =	vmul.f32 v56, v21;
	[tilespmem:s12+$0xFFFFFFF0] =	vst v61  }
.LBB2_10:
0x12a: {  	v39 =	vld [tilespmem:s5+$0x0];
	v27 =	vmul.f32 v27, v23;
	v31 =	vadd.f32 v35, v31;
	v35 =	vadd.f32 v38, v37  }
0x12b: {  	v37 =	vld [tilespmem:s5+$0x10];
	v28 =	vmul.f32 v28, v24  }
0x12c: {  	v38 =	vld [tilespmem:s5+$0x20];
	v32 =	vmul.f32 v32, v25;
	v31 =	vadd.f32 v35, v31  }
0x12d: {  	s0 =	sadd.s32 $0x20, s0;
	v35 =	vld [tilespmem:s5+$0x30];
	v28 =	vadd.f32 v28, v29;
	v29 =	vmul.f32 v34, v26  }
0x12e: {  	v34 =	vld [tilespmem:s5+$0x40];
	v36 =	vmul.f32 v36, v19;
	v30 =	vadd.f32 v32, v30;
	[tilespmem:s0+$0x0] =	vst v31  }
0x12f: {  	v31 =	vld [tilespmem:s5+$0x50];
	v29 =	vadd.f32 v29, v33  }
0x130: {  	v32 =	vld [tilespmem:s5+$0x60];
	v27 =	vadd.f32 v27, v36  }
0x131: {  	s13 =	sadd.s32 $0x2, s13;
	v33 =	vld [tilespmem:s5+$0x70];
	v29 =	vadd.f32 v29, v30  }
0x132: {  	p1 =	slt.u32 s13, $0xE;
	v30 =	vld [tilespmem:s5+$0xFFFFFF90];
	v27 =	vadd.f32 v28, v27  }
0x133: {  	v39 =	vmul.f32 v39, v19;
	v37 =	vmul.f32 v37, v20;
	v36 =	vld [tilespmem:s5+$0xFFFFFFA0]  }
0x134: {  	v38 =	vmul.f32 v38, v21;
	v41 =	vmul.f32 v35, v22;
	v40 =	vld [tilespmem:s5+$0xFFFFFFB0];
	v29 =	vadd.f32 v29, v27  }
.Ltmp3:
0x135: {  	v34 =	vmul.f32 v34, v23;
	v35 =	vmul.f32 v31, v24;
	v27 =	vld [tilespmem:s5+$0xFFFFFFC0];
	(pc) =	sbr.rel @p1 .LBB2_10-.Ltmp3, $4  }
0x136: {  	v42 =	vmul.f32 v32, v25;
	v28 =	vld [tilespmem:s5+$0xFFFFFFD0];
	v33 =	vmul.f32 v33, v26;
	[tilespmem:s0+$0xFFFFFFF0] =	vst v29  }
0x137: {  	v31 =	vadd.f32 v34, v39;
	v35 =	vadd.f32 v35, v37;
	v29 =	vmul.f32 v30, v20;
	v32 =	vld [tilespmem:s5+$0xFFFFFFE0]  }
0x138: {  	v37 =	vadd.f32 v42, v38;
	v30 =	vmul.f32 v36, v21;
	v34 =	vld [tilespmem:s5+$0xFFFFFFF0];
	v38 =	vadd.f32 v33, v41  }
0x139: {  	v36 =	vld [tilespmem:s5+$0xFFFFFF80];
	v33 =	vmul.f32 v40, v22;
	s5 =	sadd.s32 $0x100, s5  }
0x13a: {  	_ =	sdelay $0x1  }
0x13b: {  	v27 =	vmul.f32 v27, v23  }
0x13c: {  	v28 =	vmul.f32 v28, v24;
	v32 =	vmul.f32 v32, v25  }
0x13d: {  	v34 =	vmul.f32 v34, v26;
	v36 =	vmul.f32 v36, v19  }
0x13e: {  	v28 =	vadd.f32 v28, v29;
	v50 =	vadd.f32 v32, v30  }
0x13f: {  	v51 =	vadd.f32 v34, v33;
	v27 =	vadd.f32 v27, v36  }
0x140: {  	v31 =	vadd.f32 v35, v31;
	v52 =	vadd.f32 v38, v37  }
0x141: {  	v29 =	vadd.f32 v51, v50;
	v27 =	vadd.f32 v28, v27  }
0x142: {  	v53 =	vadd.f32 v52, v31  }
0x143: {  	s0 =	sadd.s32 $0x20, s0;
	s3 =	sadd.s32 $0x10, s3;
	v27 =	vadd.f32 v29, v27  }
0x144: {  	s5 =	sshll.u32 s3, $0x7;
	[tilespmem:s0+$0x0] =	vst v53  }
0x145: {  	s5 =	sand.u32 $0x3FFFFF80, s5;
	[tilespmem:s0+$0xFFFFFFF0] =	vst v27  }
0x146: {  	v27 =	vld [tilespmem:s5+$0xC100]  }
0x147: {  	v28 =	vld [tilespmem:s5+$0xC110]  }
0x148: {  	v54 =	vld [tilespmem:s5+$0xC120]  }
0x149: {  	v55 =	vld [tilespmem:s5+$0xC130]  }
0x14a: {  	v56 =	vld [tilespmem:s5+$0xC140]  }
0x14b: {  	v57 =	vld [tilespmem:s5+$0xC150]  }
0x14c: {  	v58 =	vld [tilespmem:s5+$0xC160]  }
0x14d: {  	v59 =	vld [tilespmem:s5+$0xC170];
	_ =	sdelay $0x1  }
0x14e: {  	v19 =	vmul.f32 v27, v19;
	v20 =	vmul.f32 v28, v20  }
0x14f: {  	v21 =	vmul.f32 v54, v21;
	v22 =	vmul.f32 v55, v22  }
0x150: {  	v60 =	vmul.f32 v56, v23;
	v61 =	vmul.f32 v57, v24  }
0x151: {  	v62 =	vmul.f32 v58, v25;
	v63 =	vmul.f32 v59, v26  }
0x152: {  	v19 =	vadd.f32 v60, v19;
	v20 =	vadd.f32 v61, v20  }
0x153: {  	s31 =	sadd.s32 $0x1, s31;
	v21 =	vadd.f32 v62, v21;
	v22 =	vadd.f32 v63, v22  }
0x154: {  	p1 =	sne.s32 s31, $0x8  }
.Ltmp4:
0x155: {  	v19 =	vadd.f32 v20, v19;
	v20 =	vadd.f32 v22, v21;
	(pc) =	sbr.rel @p1 .LBB2_9-.Ltmp4, $4  }
0x156: {  	_ = 	snop  }
0x157: {  	s13 =	sshll.u32 s3, $0x4;
	v19 =	vadd.f32 v20, v19  }
0x158: {  	s0 =	sand.u32 $0x3FFFFFF0, s13  }
0x159: {  	s12 =	sadd.s32 $0x110, s12;
	s2 =	sadd.s32 $0x880, s2;
	[tilespmem:s0+$0x7400] =	vst v19  }
0x15a: {  	s0 =	simm.s32 $0x0  }
0x15b: {  	v19 =	vmov s0  }
0x15c: {  	v19 =	vshll.u32 v19, $0x4  }
0x15d: {  	v20 =	vor.u32 v1, v19  }
0x15e: {  	v19 =	vor.u32 $0x1, v20;
	_ =	sdelay $0x1  }
0x15f: {  	v21 =	vor.u32 $0x2, v20;
	_ =	sdelay $0x1  }
0x160: {  	v23 =	vor.u32 $0x3, v20;
	v22 =	vld.idx.msk [tilespmem:v20+s18+$0x0], $0xffff  }
0x161: {  	v19 =	vld.idx.msk [tilespmem:v19+s18+$0x0], $0xffff  }
0x162: {  	v24 =	vor.u32 $0x4, v20  }
0x163: {  	v21 =	vld.idx.msk [tilespmem:v21+s18+$0x0], $0xffff  }
0x164: {  	v25 =	vor.u32 $0x5, v20  }
0x165: {  	v23 =	vld.idx.msk [tilespmem:v23+s18+$0x0], $0xffff  }
0x166: {  	s0 =	simm.s32 $0x10;
	v27 =	vor.u32 $0x6, v20;
	v22 =	vadd.f32 v19, v22  }
0x167: {  	v26 =	vmov s0;
	v28 =	vor.u32 $0x9, v20;
	v24 =	vld.idx.msk [tilespmem:v24+s18+$0x0], $0xffff  }
0x168: {  	v19 =	vshll.u32 v26, $0x4;
	v26 =	vor.u32 $0x7, v20;
	v21 =	vadd.f32 v21, v22  }
0x169: {  	v19 =	vor.u32 v1, v19;
	v22 =	vld.idx.msk [tilespmem:v25+s18+$0x0], $0xffff  }
0x16a: {  	v25 =	vor.u32 $0x8, v20;
	v21 =	vadd.f32 v23, v21  }
0x16b: {  	v23 =	vld.idx.msk [tilespmem:v27+s18+$0x0], $0xffff;
	v27 =	vor.u32 $0x1, v19  }
0x16c: {  	v29 =	vor.u32 $0xA, v20;
	v33 =	vld.idx.msk [tilespmem:v28+s18+$0x0], $0xffff;
	v21 =	vadd.f32 v24, v21  }
0x16d: {  	v24 =	vld.idx.msk [tilespmem:v26+s18+$0x0], $0xffff;
	v26 =	vor.u32 $0x2, v19  }
0x16e: {  	v31 =	vor.u32 $0xB, v20;
	v30 =	vld.idx.msk [tilespmem:v19+s18+$0x0], $0xffff;
	v21 =	vadd.f32 v22, v21  }
0x16f: {  	v32 =	vor.u32 $0x3, v19;
	v22 =	vld.idx.msk [tilespmem:v25+s18+$0x0], $0xffff  }
0x170: {  	v34 =	vor.u32 $0x4, v19;
	v28 =	vld.idx.msk [tilespmem:v27+s18+$0x0], $0xffff;
	v21 =	vadd.f32 v23, v21  }
0x171: {  	v36 =	vld.idx.msk [tilespmem:v29+s18+$0x0], $0xffff;
	v23 =	vor.u32 $0xC, v20  }
0x172: {  	v37 =	vor.u32 $0x5, v19;
	v35 =	vld.idx.msk [tilespmem:v26+s18+$0x0], $0xffff;
	v21 =	vadd.f32 v24, v21  }
0x173: {  	s2 =	simm.s32 $0x20;
	v25 =	vld.idx.msk [tilespmem:v31+s18+$0x0], $0xffff;
	v24 =	vor.u32 $0xD, v20  }
0x174: {  	v31 =	vor.u32 $0xE, v20;
	v27 =	vld.idx.msk [tilespmem:v32+s18+$0x0], $0xffff;
	v26 =	vmov s2;
	v21 =	vadd.f32 v22, v21  }
0x175: {  	s3 =	sadd.s32 $0x0, s25;
	v29 =	vor.u32 $0x6, v19;
	v62 =	vshll.u32 v26, $0x4;
	v30 =	vadd.f32 v28, v30;
	v28 =	vld.idx.msk [tilespmem:v34+s18+$0x0], $0xffff  }
0x176: {  	v22 =	vor.u32 $0xF, v20;
	v26 =	vld.idx.msk [tilespmem:v23+s18+$0x0], $0xffff;
	v23 =	vadd.s32 s3, v0;
	v63 =	vadd.f32 v33, v21  }
0x177: {  	v32 =	vor.u32 $0x7, v19;
	v33 =	vmulhi.u32 $0xF0F0F0F1, v23;
	v35 =	vadd.f32 v35, v30;
	v30 =	vld.idx.msk [tilespmem:v37+s18+$0x0], $0xffff  }
0x178: {  	v20 =	vor.u32 v1, v62;
	s3 =	simm.s32 $0x30;
	v21 =	vor.u32 $0xB, v19;
	v24 =	vld.idx.msk [tilespmem:v24+s18+$0x0], $0xffff;
	v34 =	vadd.f32 v36, v63  }
.LBB2_13:
0x179: {  	p1 =	sne.s32 s3, $0x70;
	v36 =	vor.u32 $0x8, v19;
	v37 =	vor.u32 $0x9, v19;
	v31 =	vld.idx.msk [tilespmem:v31+s18+$0x0], $0xffff;
	v33 =	vshrl.u32 v33, $0x4  }
0x17a: {  	v27 =	vadd.f32 v27, v35;
	v29 =	vld.idx.msk [tilespmem:v29+s18+$0x0], $0xffff;
	v25 =	vadd.f32 v25, v34;
	v34 =	vmul.u32 $0xFFFFFFEF, v33  }
0x17b: {  	v38 =	vor.u32 $0xA, v19;
	v35 =	vor.u32 $0x1, v20;
	v33 =	vmul.u32 $0x18, v33;
	v22 =	vld.idx.msk [tilespmem:v22+s18+$0x0], $0xffff  }
0x17c: {  	v27 =	vadd.f32 v28, v27;
	v28 =	vld.idx.msk [tilespmem:v32+s18+$0x0], $0xffff;
	v25 =	vadd.f32 v26, v25;
	v23 =	vadd.s32 v23, v34  }
0x17d: {  	v26 =	vor.u32 $0x2, v20;
	v32 =	vld.idx.msk [tilespmem:v20+s18+$0x0], $0xffff;
	v34 =	vand.u32 $0x18, v23;
	v23 =	vand.u32 $0x7, v23  }
0x17e: {  	v27 =	vadd.f32 v30, v27;
	v30 =	vld.idx.msk [tilespmem:v36+s18+$0x0], $0xffff;
	v24 =	vadd.f32 v24, v25;
	v25 =	vadd.s32 v34, v33  }
0x17f: {  	v33 =	vor.u32 $0x3, v20;
	v34 =	vld.idx.msk [tilespmem:v37+s18+$0x0], $0xffff;
	v23 =	vor.u32 v23, v25  }
0x180: {  	v36 =	vor.u32 $0xC, v19;
	v35 =	vld.idx.msk [tilespmem:v35+s18+$0x0], $0xffff;
	v25 =	vadd.f32 v29, v27;
	v24 =	vadd.f32 v31, v24  }
0x181: {  	v37 =	vor.u32 $0x4, v20;
	v38 =	vld.idx.msk [tilespmem:v38+s18+$0x0], $0xffff  }
0x182: {  	v40 =	vor.u32 $0xD, v19;
	v39 =	vld.idx.msk [tilespmem:v26+s18+$0x0], $0xffff;
	v26 =	vadd.f32 v28, v25;
	v22 =	vadd.f32 v22, v24  }
0x183: {  	v41 =	vor.u32 $0x5, v20;
	v25 =	vld.idx.msk [tilespmem:v21+s18+$0x0], $0xffff  }
.Ltmp5:
0x184: {  	s5 =	sadd.s32 s0, s25;
	s0 =	smov.u32 s2;
	v31 =	vor.u32 $0xE, v19;
	v21 =	vmov s3;
	v27 =	vld.idx.msk [tilespmem:v33+s18+$0x0], $0xffff;
	v24 =	vadd.f32 v30, v26;
	[tilespmem:v23+s19+$0x0] =	vst.idx.msk $0xffff, v22;
	(pc) =	sbr.rel @p1 .LBB2_13-.Ltmp5, $4  }
0x185: {  	s2 =	smov.u32 s3;
	v29 =	vor.u32 $0x6, v20;
	v21 =	vshll.u32 v21, $0x4;
	v23 =	vadd.s32 s5, v0;
	v26 =	vld.idx.msk [tilespmem:v36+s18+$0x0], $0xffff  }
0x186: {  	v22 =	vor.u32 $0xF, v19;
	v19 =	vmovc v20;
	v30 =	vadd.f32 v35, v32;
	v28 =	vld.idx.msk [tilespmem:v37+s18+$0x0], $0xffff;
	v34 =	vadd.f32 v34, v24  }
0x187: {  	v20 =	vor.u32 v1, v21;
	v32 =	vor.u32 $0x7, v19;
	v33 =	vmulhi.u32 $0xF0F0F0F1, v23;
	v24 =	vld.idx.msk [tilespmem:v40+s18+$0x0], $0xffff  }
0x188: {  	s3 =	sadd.s32 $0x10, s3;
	v21 =	vor.u32 $0xB, v19;
	v35 =	vadd.f32 v39, v30;
	v30 =	vld.idx.msk [tilespmem:v41+s18+$0x0], $0xffff;
	v34 =	vadd.f32 v38, v34  }
0x189: {  	v36 =	vor.u32 $0x1, v20;
	_ =	sdelay $0x1  }
0x18a: {  	v37 =	vor.u32 $0x2, v20;
	_ =	sdelay $0x1  }
0x18b: {  	v38 =	vld.idx.msk [tilespmem:v20+s18+$0x0], $0xffff;
	v39 =	vor.u32 $0x3, v20  }
0x18c: {  	v36 =	vld.idx.msk [tilespmem:v36+s18+$0x0], $0xffff  }
0x18d: {  	v40 =	vor.u32 $0x4, v20  }
0x18e: {  	v37 =	vld.idx.msk [tilespmem:v37+s18+$0x0], $0xffff  }
0x18f: {  	v41 =	vor.u32 $0x5, v20  }
0x190: {  	v39 =	vld.idx.msk [tilespmem:v39+s18+$0x0], $0xffff  }
0x191: {  	v31 =	vld.idx.msk [tilespmem:v31+s18+$0x0], $0xffff;
	v54 =	vor.u32 $0x6, v20;
	v36 =	vadd.f32 v36, v38  }
0x192: {  	v55 =	vor.u32 $0x8, v19;
	v27 =	vadd.f32 v27, v35;
	v40 =	vld.idx.msk [tilespmem:v40+s18+$0x0], $0xffff  }
0x193: {  	v29 =	vld.idx.msk [tilespmem:v29+s18+$0x0], $0xffff;
	v56 =	vor.u32 $0x7, v20;
	v36 =	vadd.f32 v37, v36  }
0x194: {  	v57 =	vor.u32 $0x9, v19;
	v33 =	vshrl.u32 v33, $0x4;
	v27 =	vadd.f32 v28, v27;
	v41 =	vld.idx.msk [tilespmem:v41+s18+$0x0], $0xffff  }
0x195: {  	v32 =	vld.idx.msk [tilespmem:v32+s18+$0x0], $0xffff;
	v58 =	vor.u32 $0x8, v20;
	v60 =	vor.u32 $0xA, v19;
	v36 =	vadd.f32 v39, v36  }
0x196: {  	v63 =	vor.u32 $0x9, v20;
	v44 =	vor.u32 $0xA, v20;
	v27 =	vadd.f32 v30, v27;
	v38 =	vld.idx.msk [tilespmem:v54+s18+$0x0], $0xffff  }
0x197: {  	v48 =	vor.u32 $0xB, v20;
	v50 =	vor.u32 $0xC, v19;
	v61 =	vld.idx.msk [tilespmem:v55+s18+$0x0], $0xffff;
	v62 =	vadd.f32 v40, v36  }
0x198: {  	v25 =	vadd.f32 v25, v34;
	v59 =	vmul.u32 $0xFFFFFFEF, v33;
	v42 =	vld.idx.msk [tilespmem:v56+s18+$0x0], $0xffff;
	v27 =	vadd.f32 v29, v27  }
0x199: {  	v53 =	vor.u32 $0xC, v20;
	v33 =	vmul.u32 $0x18, v33;
	v28 =	vld.idx.msk [tilespmem:v57+s18+$0x0], $0xffff;
	v35 =	vadd.f32 v41, v62  }
0x19a: {  	s0 =	sadd.s32 s0, s25;
	v25 =	vadd.f32 v26, v25;
	v23 =	vadd.s32 v23, v59;
	v46 =	vld.idx.msk [tilespmem:v58+s18+$0x0], $0xffff;
	v45 =	vadd.f32 v32, v27  }
0x19b: {  	v52 =	vadd.s32 s0, v0;
	v43 =	vand.u32 $0x18, v23;
	v30 =	vld.idx.msk [tilespmem:v60+s18+$0x0], $0xffff;
	v49 =	vadd.f32 v38, v35  }
0x19c: {  	v24 =	vadd.f32 v24, v25;
	v51 =	vld.idx.msk [tilespmem:v63+s18+$0x0], $0xffff;
	v54 =	vor.u32 $0xD, v19;
	v25 =	vadd.f32 v61, v45  }
0x19d: {  	v21 =	vld.idx.msk [tilespmem:v21+s18+$0x0], $0xffff;
	v23 =	vand.u32 $0x7, v23;
	v47 =	vadd.s32 v43, v33;
	v29 =	vadd.f32 v42, v49  }
0x19e: {  	v55 =	vmulhi.u32 $0xF0F0F0F1, v52;
	v56 =	vld.idx.msk [tilespmem:v44+s18+$0x0], $0xffff;
	v57 =	vor.u32 $0xD, v20;
	v25 =	vadd.f32 v28, v25  }
0x19f: {  	s13 =	sadd.s32 s2, s25;
	v58 =	vor.u32 $0xE, v19;
	v60 =	vor.u32 $0xE, v20;
	v32 =	vld.idx.msk [tilespmem:v50+s18+$0x0], $0xffff;
	v27 =	vadd.f32 v46, v29  }
0x1a0: {  	v59 =	vld.idx.msk [tilespmem:v48+s18+$0x0], $0xffff;
	v20 =	vor.u32 $0xF, v20;
	v61 =	vadd.s32 s13, v0;
	v25 =	vadd.f32 v30, v25  }
0x1a1: {  	v23 =	vor.u32 v23, v47;
	v63 =	vmulhi.u32 $0xF0F0F0F1, v61;
	v40 =	vld.idx.msk [tilespmem:v54+s18+$0x0], $0xffff;
	v26 =	vadd.f32 v51, v27  }
0x1a2: {  	v24 =	vadd.f32 v31, v24;
	v19 =	vor.u32 $0xF, v19;
	v36 =	vld.idx.msk [tilespmem:v53+s18+$0x0], $0xffff;
	v21 =	vadd.f32 v21, v25  }
0x1a3: {  	v22 =	vld.idx.msk [tilespmem:v22+s18+$0x0], $0xffff;
	v28 =	vshrl.u32 v55, $0x4;
	v41 =	vshrl.u32 v63, $0x4;
	v26 =	vadd.f32 v56, v26  }
0x1a4: {  	v31 =	vld.idx.msk [tilespmem:v57+s18+$0x0], $0xffff;
	v62 =	vmul.u32 $0xFFFFFFEF, v28;
	v21 =	vadd.f32 v32, v21;
	v42 =	vmul.u32 $0xFFFFFFEF, v41  }
0x1a5: {  	v28 =	vmul.u32 $0x18, v28;
	v44 =	vmul.u32 $0x18, v41;
	v29 =	vld.idx.msk [tilespmem:v58+s18+$0x0], $0xffff;
	v26 =	vadd.f32 v59, v26  }
0x1a6: {  	v43 =	vld.idx.msk [tilespmem:v60+s18+$0x0], $0xffff;
	v21 =	vadd.f32 v40, v21;
	v30 =	vadd.s32 v61, v42;
	v27 =	vadd.s32 v52, v62  }
0x1a7: {  	v19 =	vld.idx.msk [tilespmem:v19+s18+$0x0], $0xffff;
	v46 =	vand.u32 $0x18, v30;
	v35 =	vand.u32 $0x18, v27;
	v26 =	vadd.f32 v36, v26  }
0x1a8: {  	v20 =	vld.idx.msk [tilespmem:v20+s18+$0x0], $0xffff;
	v47 =	vand.u32 $0x7, v30;
	v27 =	vand.u32 $0x7, v27;
	v28 =	vadd.s32 v35, v28  }
0x1a9: {  	v45 =	vor.u32 v27, v28;
	v27 =	vadd.s32 v46, v44;
	v26 =	vadd.f32 v31, v26  }
0x1aa: {  	v21 =	vadd.f32 v29, v21;
	v27 =	vor.u32 v47, v27  }
0x1ab: {  	v22 =	vadd.f32 v22, v24;
	v48 =	vadd.f32 v43, v26  }
0x1ac: {  	v19 =	vadd.f32 v19, v21  }
0x1ad: {  	[tilespmem:v23+s19+$0x0] =	vst.idx.msk $0xffff, v22;
	v20 =	vadd.f32 v20, v48  }
0x1ae: {  	[tilespmem:v45+s19+$0x0] =	vst.idx.msk $0xffff, v19  }
0x1af: {  	[tilespmem:v27+s19+$0x0] =	vst.idx.msk $0xffff, v20  }
0x1b0: {  	v19 =	vld.idx.msk [tilespmem:v3+s18+$0x0], $0xffff  }
0x1b1: {  	v20 =	vld.idx.msk [tilespmem:v4+s18+$0x0], $0xffff;
	_ =	sdelay $0x1  }
0x1b2: {  	v49 =	vld.idx.msk [tilespmem:v5+s18+$0x0], $0xffff;
	_ =	sdelay $0x1  }
0x1b3: {  	v22 =	vld.idx.msk [tilespmem:v6+s18+$0x0], $0xffff  }
0x1b4: {  	v19 =	vadd.f32 v20, v19  }
0x1b5: {  	v20 =	vld.idx.msk [tilespmem:v7+s18+$0x0], $0xffff  }
0x1b6: {  	v19 =	vadd.f32 v49, v19  }
0x1b7: {  	v50 =	vld.idx.msk [tilespmem:v8+s18+$0x0], $0xffff  }
0x1b8: {  	v19 =	vadd.f32 v22, v19  }
0x1b9: {  	v51 =	vld.idx.msk [tilespmem:v9+s18+$0x0], $0xffff  }
0x1ba: {  	v19 =	vadd.f32 v20, v19  }
0x1bb: {  	v20 =	vld.idx.msk [tilespmem:v10+s18+$0x0], $0xffff  }
0x1bc: {  	v19 =	vadd.f32 v50, v19  }
0x1bd: {  	v52 =	vld.idx.msk [tilespmem:v11+s18+$0x0], $0xffff  }
0x1be: {  	v19 =	vadd.f32 v51, v19  }
0x1bf: {  	v53 =	vld.idx.msk [tilespmem:v12+s18+$0x0], $0xffff  }
0x1c0: {  	s31 =	sadd.s32 $0x108, s29;
	v19 =	vadd.f32 v20, v19  }
0x1c1: {  	v54 =	vmov s31;
	v20 =	vld.idx.msk [tilespmem:v13+s18+$0x0], $0xffff  }
0x1c2: {  	v55 =	vbroadcast v54, $0x0;
	v19 =	vadd.f32 v52, v19  }
0x1c3: {  	v56 =	vld.idx.msk [tilespmem:v14+s18+$0x0], $0xffff  }
0x1c4: {  	v21 =	vadd.s32 v0, v55;
	v19 =	vadd.f32 v53, v19  }
0x1c5: {  	v58 =	vmulhi.u32 $0xF0F0F0F1, v21;
	v57 =	vld.idx.msk [tilespmem:v15+s18+$0x0], $0xffff  }
0x1c6: {  	v19 =	vadd.f32 v20, v19  }
0x1c7: {  	v24 =	vshrl.u32 v58, $0x4;
	v20 =	vld.idx.msk [tilespmem:v16+s18+$0x0], $0xffff  }
0x1c8: {  	v59 =	vmul.u32 $0xFFFFFFEF, v24;
	v19 =	vadd.f32 v56, v19  }
0x1c9: {  	v25 =	vld.idx.msk [tilespmem:v17+s18+$0x0], $0xffff  }
0x1ca: {  	v60 =	vmul.u32 $0x18, v24;
	v21 =	vadd.s32 v21, v59;
	v19 =	vadd.f32 v57, v19  }
0x1cb: {  	v62 =	vand.u32 $0x18, v21;
	v61 =	vld.idx.msk [tilespmem:v18+s18+$0x0], $0xffff  }
0x1cc: {  	v63 =	vadd.s32 v62, v60;
	v19 =	vadd.f32 v20, v19;
	v20 =	vand.u32 $0x7, v21  }
0x1cd: {  	v20 =	vor.u32 v20, v63  }
.Ltmp6:
0x1ce: {  	v19 =	vadd.f32 v25, v19;
	(pc) =	sbr.rel @p0 .LBB2_16-.Ltmp6, $3  }
0x1cf: {  	_ = 	snop  }
0x1d0: {  	v19 =	vadd.f32 v61, v19;
	_ =	sdelay $0x1  }
0x1d1: {  	[tilespmem:v20+s19+$0x0] =	vst.idx.msk $0xff, v19  }
0x1d2: {  	s0 =	sadd.s32 $0x3, s30  }
0x1d3: {  	s2 =	smul.u32 $0x220, s0  }
.Ltmp7:
0x1d4: {  	_ = 	snop;
	(pc) =	sbr.rel .LBB2_2-.Ltmp7, $4  }
0x1d5: {  	s28 =	sadd.s32 $0x1, s28;
	s0 =	sshll.u32 s0, $0x7;
	s2 =	sshra.s32 s2, $0x2  }
0x1d6: {  	[tilespmem:s14], [sflag:$0x2] =	stream.indirect.gather [hbm4b:s1+s23], $0x80, s2, s23, $0xb8;
	[tilespmem:$0x10D00] =	vst v63  }
0x1d7: {  	s26 =	sadd.s32 $0x110, s26;
	s25 =	sadd.s32 $0x110, s25;
	s0 =	sadd.s32 s0, s6  }
0x1d8: {  	[tilespmem:s15], [sflag:$0x4] =	stream.linear.gather [hbm4b:s0+s4], $0x400, $0x38;
	[tilespmem:$0x10D00] =	vst v63  }
.LBB2_16:
0x1d9: {  	s0 =	simm.s32 $0x0  }
0x1da: {  	v19 =	vor.u32 s0, v0  }
0x1db: {  	v26 =	vmul.u32 $0x11, v19  }
0x1dc: {  	v19 =	vmul.u32 $0x18, v19;
	_ =	sdelay $0x1  }
0x1dd: {  	_ =	swait.ge [sflag:s22], $0x2200;
	v20 =	vadd.s32 $0xE, v26  }
0x1de: {  	[sflag:s22] =	ssyncset.done $0x0;
	v23 =	vor.u32 $0x5, v19  }
0x1df: {  	[sflag:s22] =	ssyncadd.s32 $0xFFFFDE00;
	v27 =	vadd.s32 $0x9, v26  }
0x1e0: {  	v28 =	vadd.s32 $0x3, v26;
	v46 =	vld.idx.msk [tilespmem:v26+s11+$0x0], $0xffff  }
0x1e1: {  	v22 =	vor.u32 $0x3, v19;
	v50 =	vld.idx.msk [tilespmem:v19+s19+$0x0], $0xffff  }
0x1e2: {  	v24 =	vor.u32 $0x7, v19;
	v36 =	vld.idx.msk [tilespmem:v20+s11+$0x0], $0xffff  }
0x1e3: {  	v29 =	vadd.s32 $0x2, v26;
	v38 =	vld.idx.msk [tilespmem:v23+s19+$0x0], $0xffff  }
0x1e4: {  	v30 =	vadd.s32 $0x6, v26;
	v39 =	vld.idx.msk [tilespmem:v27+s11+$0x0], $0xffff  }
0x1e5: {  	v31 =	vadd.s32 $0x7, v26;
	v34 =	vld.idx.msk [tilespmem:v28+s11+$0x0], $0xffff  }
0x1e6: {  	v33 =	vadd.s32 $0x1, v26;
	v35 =	vld.idx.msk [tilespmem:v22+s19+$0x0], $0xffff  }
0x1e7: {  	v25 =	vand.u32 $0x3FFF, v26;
	v32 =	vadd.s32 $0x9, v19;
	v42 =	vld.idx.msk [tilespmem:v24+s19+$0x0], $0xffff  }
0x1e8: {  	v21 =	vadd.s32 $0x10, v25;
	v47 =	vld.idx.msk [tilespmem:v29+s11+$0x0], $0xffff  }
0x1e9: {  	v58 =	vadd.s32 $0xB, v26;
	v48 =	vld.idx.msk [tilespmem:v30+s11+$0x0], $0xffff  }
0x1ea: {  	v28 =	vadd.s32 $0x5, v26;
	v49 =	vld.idx.msk [tilespmem:v31+s11+$0x0], $0xffff  }
0x1eb: {  	v25 =	vadd.s32 $0x8, v25;
	v52 =	vld.idx.msk [tilespmem:v33+s11+$0x0], $0xffff  }
0x1ec: {  	v27 =	vadd.s32 $0xF, v26;
	v55 =	vld.idx.msk [tilespmem:v32+s19+$0x0], $0xffff  }
0x1ed: {  	v37 =	vld.idx.msk [tilespmem:v21+s11+$0x0], $0xffff;
	v21 =	vor.u32 $0x1, v19  }
0x1ee: {  	v20 =	vor.u32 $0x2, v19;
	v58 =	vld.idx.msk [tilespmem:v58+s11+$0x0], $0xffff  }
0x1ef: {  	v45 =	vld.idx.msk [tilespmem:v28+s11+$0x0], $0xffff;
	v28 =	vadd.s32 $0x4, v26  }
0x1f0: {  	v44 =	vld.idx.msk [tilespmem:v25+s11+$0x0], $0xffff;
	v25 =	vor.u32 $0x4, v19  }
0x1f1: {  	v29 =	vadd.s32 $0xB, v19;
	v43 =	vld.idx.msk [tilespmem:v27+s11+$0x0], $0xffff  }
0x1f2: {  	v27 =	vor.u32 $0x6, v19;
	v41 =	vld.idx.msk [tilespmem:v21+s19+$0x0], $0xffff  }
0x1f3: {  	v30 =	vadd.s32 $0xC, v19;
	v40 =	vld.idx.msk [tilespmem:v20+s19+$0x0], $0xffff  }
0x1f4: {  	v51 =	vld.idx.msk [tilespmem:v28+s11+$0x0], $0xffff;
	v28 =	vadd.s32 $0x8, v19  }
0x1f5: {  	v56 =	vadd.s32 $0xA, v26;
	v53 =	vld.idx.msk [tilespmem:v25+s19+$0x0], $0xffff  }
0x1f6: {  	v33 =	vadd.s32 $0xA, v19;
	v57 =	vld.idx.msk [tilespmem:v29+s19+$0x0], $0xffff  }
0x1f7: {  	v46 =	vadd.f32 v46, v50;
	v50 =	vadd.s32 $0xC, v26;
	v54 =	vld.idx.msk [tilespmem:v27+s19+$0x0], $0xffff;
	v41 =	vadd.f32 v52, v41  }
0x1f8: {  	v31 =	vadd.s32 $0xD, v19;
	v59 =	vld.idx.msk [tilespmem:v30+s19+$0x0], $0xffff;
	v61 =	vadd.f32 v34, v35;
	v40 =	vadd.f32 v47, v40  }
0x1f9: {  	v34 =	vadd.s32 $0xE, v19;
	v47 =	vadd.s32 $0xD, v26;
	v26 =	vmax.f32 v46, v41;
	v60 =	vld.idx.msk [tilespmem:v28+s19+$0x0], $0xffff  }
0x1fa: {  	v35 =	vadd.s32 $0xF, v19;
	v26 =	vmax.f32 v26, v40;
	v51 =	vadd.f32 v51, v53;
	v53 =	vld.idx.msk [tilespmem:v56+s11+$0x0], $0xffff  }
0x1fb: {  	v42 =	vadd.f32 v49, v42;
	v38 =	vadd.f32 v45, v38;
	v56 =	vld.idx.msk [tilespmem:v33+s19+$0x0], $0xffff;
	v62 =	vmax.f32 v26, v61  }
0x1fc: {  	v49 =	vld.idx.msk [tilespmem:v50+s11+$0x0], $0xffff;
	v26 =	vadd.s32 $0x10, v19;
	v48 =	vadd.f32 v48, v54;
	v45 =	vmax.f32 v62, v51  }
0x1fd: {  	v52 =	vld.idx.msk [tilespmem:v31+s19+$0x0], $0xffff;
	v45 =	vmax.f32 v45, v38  }
0x1fe: {  	v47 =	vld.idx.msk [tilespmem:v47+s11+$0x0], $0xffff;
	v45 =	vmax.f32 v45, v48;
	v44 =	vadd.f32 v44, v60  }
0x1ff: {  	v39 =	vadd.f32 v39, v55;
	v63 =	vld.idx.msk [tilespmem:v34+s19+$0x0], $0xffff;
	v45 =	vmax.f32 v45, v42  }
0x200: {  	v60 =	vld.idx.msk [tilespmem:v35+s19+$0x0], $0xffff;
	v53 =	vadd.f32 v53, v56;
	v45 =	vmax.f32 v45, v44  }
0x201: {  	v62 =	vld.idx.msk [tilespmem:v26+s19+$0x0], $0xffff;
	v56 =	vadd.f32 v58, v57;
	v45 =	vmax.f32 v45, v39  }
0x202: {  	v49 =	vadd.f32 v49, v59;
	v45 =	vmax.f32 v45, v53  }
0x203: {  	v47 =	vadd.f32 v47, v52;
	v45 =	vmax.f32 v45, v56  }
0x204: {  	v50 =	vadd.f32 v36, v63;
	v63 =	vmax.f32 v45, v49  }
0x205: {  	v52 =	vadd.f32 v43, v60;
	v36 =	vmax.f32 v63, v47  }
0x206: {  	v54 =	vadd.f32 v37, v62;
	v36 =	vmax.f32 v36, v50  }
0x207: {  	v36 =	vmax.f32 v36, v52  }
0x208: {  	v55 =	vmax.f32 v36, v54  }
0x209: {  	v36 =	vsub.f32 v46, v55  }
0x20a: {  	v45 =	vsub.f32 v41, v55  }
0x20b: {  	v36 =	vmul.f32 $1.442695020e+00, v36  }
0x20c: {  	v40 =	vsub.f32 v40, v55;
	v37 =	vmul.f32 $1.442695020e+00, v45  }
0x20d: {  	(erf) = vpow2.f32 v36  }
0x20e: {  	v46 =	vsub.f32 v61, v55;
	v40 =	vmul.f32 $1.442695020e+00, v40;
	(erf) = vpow2.f32 v37;
	_ =	sdelay $0x1  }
0x20f: {  	v51 =	vsub.f32 v51, v55;
	v36 =	vmul.f32 $1.442695020e+00, v46;
	(erf) = vpow2.f32 v40;
	_ =	sdelay $0x1  }
0x210: {  	v38 =	vsub.f32 v38, v55;
	v37 =	vmul.f32 $1.442695020e+00, v51;
	(erf) = vpow2.f32 v36;
	_ =	sdelay $0x1  }
0x211: {  	v38 =	vmul.f32 $1.442695020e+00, v38;
	(erf) = vpow2.f32 v37  }
0x212: {  	v57 =	vsub.f32 v48, v55  }
0x213: {  	v36 =	vpop (erf);
	(erf) = vpow2.f32 v38  }
0x214: {  	v58 =	vsub.f32 v42, v55;
	v59 =	vmul.f32 $1.442695020e+00, v57;
	v37 =	vpop (erf)  }
0x215: {  	v60 =	vsub.f32 v44, v55;
	v61 =	vadd.f32 v37, v36  }
0x216: {  	v62 =	vsub.f32 v39, v55;
	v40 =	vmul.f32 $1.442695020e+00, v58;
	(erf) = vpow2.f32 v59;
	v38 =	vpop (erf)  }
0x217: {  	v42 =	vmul.f32 $1.442695020e+00, v60;
	v43 =	vadd.f32 v61, v38  }
0x218: {  	v41 =	vmul.f32 $1.442695020e+00, v62;
	(erf) = vpow2.f32 v40;
	v39 =	vpop (erf)  }
0x219: {  	v43 =	vadd.f32 v43, v39  }
0x21a: {  	(erf) = vpow2.f32 v42;
	v40 =	vpop (erf)  }
0x21b: {  	v63 =	vsub.f32 v53, v55;
	v43 =	vadd.f32 v43, v40  }
0x21c: {  	(erf) = vpow2.f32 v41;
	v41 =	vpop (erf)  }
0x21d: {  	v48 =	vsub.f32 v56, v55;
	v44 =	vmul.f32 $1.442695020e+00, v63;
	v43 =	vadd.f32 v43, v41;
	_ =	sdelay $0x1  }
0x21e: {  	v49 =	vsub.f32 v49, v55;
	v51 =	vmul.f32 $1.442695020e+00, v48;
	(erf) = vpow2.f32 v44;
	v42 =	vpop (erf)  }
0x21f: {  	v56 =	vadd.f32 v43, v42  }
0x220: {  	v53 =	vsub.f32 v47, v55;
	v45 =	vmul.f32 $1.442695020e+00, v49;
	(erf) = vpow2.f32 v51;
	v43 =	vpop (erf)  }
0x221: {  	v57 =	vsub.f32 v50, v55;
	v47 =	vadd.f32 v56, v43  }
0x222: {  	v58 =	vmul.f32 $1.442695020e+00, v53;
	(erf) = vpow2.f32 v45;
	v44 =	vpop (erf)  }
0x223: {  	v46 =	vmul.f32 $1.442695020e+00, v57;
	v47 =	vadd.f32 v47, v44  }
0x224: {  	v61 =	vsub.f32 v52, v55;
	(erf) = vpow2.f32 v58;
	v45 =	vpop (erf)  }
0x225: {  	v47 =	vadd.f32 v47, v45  }
0x226: {  	v62 =	vsub.f32 v54, v55;
	v50 =	vmul.f32 $1.442695020e+00, v61;
	(erf) = vpow2.f32 v46  }
0x227: {  	v46 =	vpop (erf)  }
0x228: {  	v51 =	vmul.f32 $1.442695020e+00, v62;
	(erf) = vpow2.f32 v50;
	v59 =	vadd.f32 v47, v46  }
0x229: {  	v47 =	vpop (erf)  }
0x22a: {  	(erf) = vpow2.f32 v51;
	v60 =	vadd.f32 v59, v47  }
0x22b: {  	v48 =	vpop (erf)  }
0x22c: {  	v63 =	vadd.f32 v60, v48  }
0x22d: {  	v49 =	vpop (erf)  }
0x22e: {  	v52 =	vadd.f32 v63, v49  }
0x22f: {  	v50 =	vpop (erf)  }
0x230: {  	s25 =	simm.s32 $0x10;
	v51 =	vadd.f32 v52, v50  }
.LBB2_17:
0x231: {  	p0 =	sne.s32 s25, $0x1F0;
	v52 =	vpop (erf);
	s0 =	smov.u32 s25;
	s25 =	sadd.s32 $0x10, s25  }
0x232: {  	v51 =	vadd.f32 v51, v52  }
0x233: {  	v53 =	vpop (erf)  }
0x234: {  	v51 =	vadd.f32 v51, v53;
	_ =	sdelay $0x1  }
0x235: {  	(erf) = vrcp.f32 v51;
	_ =	sdelay $0x8  }
0x236: {  	v51 =	vpop (erf)  }
0x237: {  	v54 =	vmul.f32 v51, v36;
	v37 =	vmul.f32 v51, v37  }
0x238: {  	v55 =	vor.u32 s0, v0  }
0x239: {  	v36 =	vmul.u32 $0x11, v55;
	v38 =	vmul.f32 v51, v38;
	[tilespmem:v19+s19+$0x0] =	vst.idx.msk $0xffff, v54;
	v19 =	vmul.u32 $0x18, v55  }
0x23a: {  	[tilespmem:v21+s19+$0x0] =	vst.idx.msk $0xffff, v37;
	v37 =	vmul.f32 v51, v39  }
0x23b: {  	v39 =	vadd.s32 $0x1, v36;
	v21 =	vor.u32 $0x1, v19;
	[tilespmem:v20+s19+$0x0] =	vst.idx.msk $0xffff, v38;
	v38 =	vmul.f32 v51, v40  }
0x23c: {  	v20 =	vor.u32 $0x2, v19;
	v40 =	vadd.s32 $0x3, v36;
	[tilespmem:v22+s19+$0x0] =	vst.idx.msk $0xffff, v37;
	v22 =	vmul.f32 v51, v41  }
0x23d: {  	v54 =	vadd.s32 $0x6, v36;
	v41 =	vadd.s32 $0x5, v36;
	[tilespmem:v25+s19+$0x0] =	vst.idx.msk $0xffff, v38;
	v25 =	vmul.f32 v51, v42  }
0x23e: {  	v38 =	vand.u32 $0x3FFF, v36;
	v42 =	vadd.s32 $0x9, v36;
	[tilespmem:v23+s19+$0x0] =	vst.idx.msk $0xffff, v22;
	v22 =	vmul.f32 v51, v43  }
0x23f: {  	v55 =	vadd.s32 $0xB, v36;
	v43 =	vadd.s32 $0x8, v38;
	v23 =	vmul.f32 v51, v44;
	[tilespmem:v27+s19+$0x0] =	vst.idx.msk $0xffff, v25  }
0x240: {  	v37 =	vadd.s32 $0xD, v36;
	v38 =	vadd.s32 $0x10, v38;
	[tilespmem:v24+s19+$0x0] =	vst.idx.msk $0xffff, v22;
	v24 =	vmul.f32 v51, v45  }
0x241: {  	v44 =	vadd.s32 $0xF, v36;
	v22 =	vor.u32 $0x3, v19;
	[tilespmem:v28+s19+$0x0] =	vst.idx.msk $0xffff, v23;
	v23 =	vmul.f32 v51, v46  }
0x242: {  	v25 =	vor.u32 $0x4, v19;
	[tilespmem:v32+s19+$0x0] =	vst.idx.msk $0xffff, v24;
	v24 =	vmul.f32 v51, v47  }
0x243: {  	[tilespmem:v33+s19+$0x0] =	vst.idx.msk $0xffff, v23;
	v23 =	vmul.f32 v51, v48  }
0x244: {  	[tilespmem:v29+s19+$0x0] =	vst.idx.msk $0xffff, v24;
	v24 =	vmul.f32 v51, v49  }
0x245: {  	v27 =	vmul.f32 v51, v50;
	v29 =	vadd.s32 $0xE, v36;
	[tilespmem:v30+s19+$0x0] =	vst.idx.msk $0xffff, v23  }
0x246: {  	[tilespmem:v31+s19+$0x0] =	vst.idx.msk $0xffff, v24;
	v24 =	vmul.f32 v51, v52  }
0x247: {  	v28 =	vmul.f32 v51, v53;
	v23 =	vor.u32 $0x5, v19;
	[tilespmem:v34+s19+$0x0] =	vst.idx.msk $0xffff, v27  }
0x248: {  	v27 =	vor.u32 $0x6, v19;
	[tilespmem:v35+s19+$0x0] =	vst.idx.msk $0xffff, v24  }
0x249: {  	v24 =	vor.u32 $0x7, v19;
	[tilespmem:v26+s19+$0x0] =	vst.idx.msk $0xffff, v28  }
0x24a: {  	v28 =	vadd.s32 $0x8, v19;
	v45 =	vld.idx.msk [tilespmem:v29+s11+$0x0], $0xffff  }
0x24b: {  	v38 =	vld.idx.msk [tilespmem:v38+s11+$0x0], $0xffff  }
0x24c: {  	v46 =	vld.idx.msk [tilespmem:v23+s19+$0x0], $0xffff  }
0x24d: {  	v35 =	vadd.s32 $0x2, v36;
	v26 =	vadd.s32 $0x10, v19;
	v42 =	vld.idx.msk [tilespmem:v42+s11+$0x0], $0xffff  }
0x24e: {  	v40 =	vld.idx.msk [tilespmem:v40+s11+$0x0], $0xffff  }
0x24f: {  	v47 =	vld.idx.msk [tilespmem:v22+s19+$0x0], $0xffff  }
0x250: {  	v48 =	vld.idx.msk [tilespmem:v20+s19+$0x0], $0xffff  }
0x251: {  	v49 =	vld.idx.msk [tilespmem:v21+s19+$0x0], $0xffff  }
0x252: {  	v32 =	vadd.s32 $0x9, v19;
	v50 =	vld.idx.msk [tilespmem:v26+s19+$0x0], $0xffff  }
0x253: {  	v33 =	vadd.s32 $0xA, v19;
	v51 =	vld.idx.msk [tilespmem:v24+s19+$0x0], $0xffff  }
0x254: {  	v29 =	vadd.s32 $0xB, v19;
	v44 =	vld.idx.msk [tilespmem:v44+s11+$0x0], $0xffff  }
0x255: {  	v30 =	vadd.s32 $0xC, v19;
	v52 =	vadd.s32 $0x7, v36;
	v43 =	vld.idx.msk [tilespmem:v43+s11+$0x0], $0xffff  }
0x256: {  	v31 =	vadd.s32 $0xD, v19;
	v41 =	vld.idx.msk [tilespmem:v41+s11+$0x0], $0xffff  }
0x257: {  	v56 =	vadd.s32 $0x4, v36;
	v34 =	vadd.s32 $0xE, v19;
	v53 =	vld.idx.msk [tilespmem:v36+s11+$0x0], $0xffff  }
0x258: {  	v57 =	vld.idx.msk [tilespmem:v35+s11+$0x0], $0xffff;
	v35 =	vadd.s32 $0xF, v19  }
0x259: {  	v54 =	vld.idx.msk [tilespmem:v54+s11+$0x0], $0xffff  }
0x25a: {  	v52 =	vld.idx.msk [tilespmem:v52+s11+$0x0], $0xffff  }
0x25b: {  	v58 =	vld.idx.msk [tilespmem:v19+s19+$0x0], $0xffff  }
0x25c: {  	v56 =	vld.idx.msk [tilespmem:v56+s11+$0x0], $0xffff  }
0x25d: {  	v59 =	vld.idx.msk [tilespmem:v25+s19+$0x0], $0xffff  }
0x25e: {  	v60 =	vld.idx.msk [tilespmem:v27+s19+$0x0], $0xffff  }
0x25f: {  	v61 =	vld.idx.msk [tilespmem:v32+s19+$0x0], $0xffff  }
0x260: {  	v39 =	vld.idx.msk [tilespmem:v39+s11+$0x0], $0xffff  }
0x261: {  	v62 =	vadd.s32 $0xA, v36;
	v63 =	vld.idx.msk [tilespmem:v29+s19+$0x0], $0xffff  }
0x262: {  	v3 =	vld.idx.msk [tilespmem:v30+s19+$0x0], $0xffff  }
0x263: {  	v36 =	vadd.s32 $0xC, v36;
	v51 =	vadd.f32 v52, v51;
	v56 =	vadd.f32 v56, v59;
	v52 =	vld.idx.msk [tilespmem:v31+s19+$0x0], $0xffff  }
0x264: {  	v38 =	vadd.f32 v38, v50;
	v53 =	vadd.f32 v53, v58;
	v58 =	vld.idx.msk [tilespmem:v35+s19+$0x0], $0xffff  }
0x265: {  	v48 =	vadd.f32 v57, v48;
	v50 =	vld.idx.msk [tilespmem:v28+s19+$0x0], $0xffff  }
0x266: {  	v40 =	vadd.f32 v40, v47;
	v39 =	vadd.f32 v39, v49;
	v47 =	vld.idx.msk [tilespmem:v62+s11+$0x0], $0xffff  }
0x267: {  	v42 =	vadd.f32 v42, v61;
	v49 =	vld.idx.msk [tilespmem:v33+s19+$0x0], $0xffff  }
0x268: {  	v57 =	vmax.f32 v53, v39;
	v36 =	vld.idx.msk [tilespmem:v36+s11+$0x0], $0xffff  }
0x269: {  	v41 =	vadd.f32 v41, v46;
	v46 =	vld.idx.msk [tilespmem:v55+s11+$0x0], $0xffff;
	v55 =	vmax.f32 v57, v48  }
0x26a: {  	v54 =	vadd.f32 v54, v60;
	v57 =	vld.idx.msk [tilespmem:v34+s19+$0x0], $0xffff;
	v55 =	vmax.f32 v55, v40  }
0x26b: {  	v37 =	vld.idx.msk [tilespmem:v37+s11+$0x0], $0xffff;
	v55 =	vmax.f32 v55, v56  }
0x26c: {  	v55 =	vmax.f32 v55, v41  }
0x26d: {  	v43 =	vadd.f32 v43, v50;
	v47 =	vadd.f32 v47, v49;
	v49 =	vmax.f32 v55, v54  }
0x26e: {  	v49 =	vmax.f32 v49, v51  }
0x26f: {  	v46 =	vadd.f32 v46, v63;
	v49 =	vmax.f32 v49, v43  }
0x270: {  	v3 =	vadd.f32 v36, v3;
	v36 =	vadd.f32 v45, v57;
	v45 =	vmax.f32 v49, v42  }
0x271: {  	v44 =	vadd.f32 v44, v58;
	v37 =	vadd.f32 v37, v52;
	v45 =	vmax.f32 v45, v47  }
0x272: {  	v45 =	vmax.f32 v45, v46  }
0x273: {  	v45 =	vmax.f32 v45, v3  }
0x274: {  	v45 =	vmax.f32 v45, v37  }
0x275: {  	v45 =	vmax.f32 v45, v36  }
0x276: {  	v45 =	vmax.f32 v45, v44  }
0x277: {  	v45 =	vmax.f32 v45, v38  }
0x278: {  	v49 =	vsub.f32 v53, v45;
	v39 =	vsub.f32 v39, v45  }
0x279: {  	v48 =	vsub.f32 v48, v45;
	v40 =	vsub.f32 v40, v45  }
0x27a: {  	v50 =	vsub.f32 v56, v45;
	v49 =	vmul.f32 $1.442695020e+00, v49;
	v39 =	vmul.f32 $1.442695020e+00, v39  }
0x27b: {  	v41 =	vsub.f32 v41, v45;
	v48 =	vmul.f32 $1.442695020e+00, v48;
	v40 =	vmul.f32 $1.442695020e+00, v40  }
0x27c: {  	v52 =	vsub.f32 v54, v45;
	v50 =	vmul.f32 $1.442695020e+00, v50;
	(erf) = vpow2.f32 v49  }
0x27d: {  	v41 =	vmul.f32 $1.442695020e+00, v41;
	v49 =	vsub.f32 v51, v45;
	(erf) = vpow2.f32 v39  }
0x27e: {  	v43 =	vsub.f32 v43, v45;
	v42 =	vsub.f32 v42, v45;
	v39 =	vmul.f32 $1.442695020e+00, v52  }
0x27f: {  	v47 =	vsub.f32 v47, v45;
	v49 =	vmul.f32 $1.442695020e+00, v49;
	(erf) = vpow2.f32 v48  }
0x280: {  	v46 =	vsub.f32 v46, v45;
	v43 =	vmul.f32 $1.442695020e+00, v43;
	v42 =	vmul.f32 $1.442695020e+00, v42  }
0x281: {  	v3 =	vsub.f32 v3, v45;
	v47 =	vmul.f32 $1.442695020e+00, v47;
	(erf) = vpow2.f32 v40  }
0x282: {  	v37 =	vsub.f32 v37, v45;
	v46 =	vmul.f32 $1.442695020e+00, v46;
	v52 =	vsub.f32 v36, v45  }
0x283: {  	v3 =	vmul.f32 $1.442695020e+00, v3;
	v40 =	vsub.f32 v44, v45;
	(erf) = vpow2.f32 v50  }
0x284: {  	v38 =	vsub.f32 v38, v45;
	v48 =	vmul.f32 $1.442695020e+00, v37;
	v50 =	vmul.f32 $1.442695020e+00, v52  }
0x285: {  	v51 =	vmul.f32 $1.442695020e+00, v40;
	v36 =	vpop (erf);
	(erf) = vpow2.f32 v41  }
0x286: {  	v52 =	vmul.f32 $1.442695020e+00, v38;
	v37 =	vpop (erf)  }
0x287: {  	v40 =	vadd.f32 v37, v36;
	(erf) = vpow2.f32 v39  }
0x288: {  	v38 =	vpop (erf)  }
0x289: {  	v44 =	vadd.f32 v40, v38;
	(erf) = vpow2.f32 v49  }
0x28a: {  	v39 =	vpop (erf)  }
0x28b: {  	v44 =	vadd.f32 v44, v39;
	(erf) = vpow2.f32 v43  }
0x28c: {  	v40 =	vpop (erf)  }
0x28d: {  	v43 =	vadd.f32 v44, v40;
	(erf) = vpow2.f32 v42  }
0x28e: {  	v41 =	vpop (erf)  }
0x28f: {  	v45 =	vadd.f32 v43, v41;
	(erf) = vpow2.f32 v47  }
0x290: {  	v42 =	vpop (erf)  }
0x291: {  	v47 =	vadd.f32 v45, v42;
	(erf) = vpow2.f32 v46  }
0x292: {  	v43 =	vpop (erf)  }
0x293: {  	v46 =	vadd.f32 v47, v43;
	(erf) = vpow2.f32 v3  }
0x294: {  	v44 =	vpop (erf)  }
0x295: {  	v3 =	vadd.f32 v46, v44;
	(erf) = vpow2.f32 v48  }
0x296: {  	v45 =	vpop (erf)  }
0x297: {  	v3 =	vadd.f32 v3, v45;
	(erf) = vpow2.f32 v50  }
0x298: {  	v46 =	vpop (erf)  }
0x299: {  	v3 =	vadd.f32 v3, v46;
	(erf) = vpow2.f32 v51  }
0x29a: {  	v47 =	vpop (erf)  }
0x29b: {  	v3 =	vadd.f32 v3, v47;
	(erf) = vpow2.f32 v52  }
0x29c: {  	v48 =	vpop (erf)  }
.Ltmp8:
0x29d: {  	v3 =	vadd.f32 v3, v48;
	(pc) =	sbr.rel @p0 .LBB2_17-.Ltmp8, $4  }
0x29e: {  	v49 =	vpop (erf)  }
0x29f: {  	v3 =	vadd.f32 v3, v49  }
0x2a0: {  	v50 =	vpop (erf)  }
0x2a1: {  	v51 =	vadd.f32 v3, v50  }
0x2a2: {  	v3 =	vpop (erf)  }
0x2a3: {  	v51 =	vadd.f32 v51, v3  }
0x2a4: {  	v52 =	vpop (erf)  }
0x2a5: {  	v51 =	vadd.f32 v51, v52;
	_ =	sdelay $0x1  }
0x2a6: {  	(erf) = vrcp.f32 v51;
	_ =	sdelay $0x8  }
0x2a7: {  	v51 =	vpop (erf)  }
0x2a8: {  	v36 =	vmul.f32 v51, v36  }
0x2a9: {  	v37 =	vmul.f32 v51, v37  }
0x2aa: {  	[tilespmem:v19+s19+$0x0] =	vst.idx.msk $0xffff, v36;
	v19 =	vmul.f32 v51, v38  }
0x2ab: {  	v63 =	vmul.f32 v51, v39;
	[tilespmem:v21+s19+$0x0] =	vst.idx.msk $0xffff, v37  }
0x2ac: {  	[tilespmem:v20+s19+$0x0] =	vst.idx.msk $0xffff, v19;
	v19 =	vmul.f32 v51, v40  }
0x2ad: {  	v20 =	vmul.f32 v51, v41;
	[tilespmem:v22+s19+$0x0] =	vst.idx.msk $0xffff, v63  }
0x2ae: {  	[tilespmem:v25+s19+$0x0] =	vst.idx.msk $0xffff, v19;
	v19 =	vmul.f32 v51, v42  }
0x2af: {  	[tilespmem:v23+s19+$0x0] =	vst.idx.msk $0xffff, v20;
	v20 =	vmul.f32 v51, v43  }
0x2b0: {  	[tilespmem:v27+s19+$0x0] =	vst.idx.msk $0xffff, v19;
	v19 =	vmul.f32 v51, v44  }
0x2b1: {  	[tilespmem:v24+s19+$0x0] =	vst.idx.msk $0xffff, v20;
	v20 =	vmul.f32 v51, v45  }
0x2b2: {  	[tilespmem:v28+s19+$0x0] =	vst.idx.msk $0xffff, v19;
	v19 =	vmul.f32 v51, v46  }
0x2b3: {  	[tilespmem:v32+s19+$0x0] =	vst.idx.msk $0xffff, v20;
	v20 =	vmul.f32 v51, v47  }
0x2b4: {  	[tilespmem:v33+s19+$0x0] =	vst.idx.msk $0xffff, v19;
	v19 =	vmul.f32 v51, v48  }
0x2b5: {  	[tilespmem:v29+s19+$0x0] =	vst.idx.msk $0xffff, v20;
	v20 =	vmul.f32 v51, v49  }
0x2b6: {  	[tilespmem:v30+s19+$0x0] =	vst.idx.msk $0xffff, v19;
	v19 =	vmul.f32 v51, v50  }
0x2b7: {  	v3 =	vmul.f32 v51, v3;
	[tilespmem:v31+s19+$0x0] =	vst.idx.msk $0xffff, v20  }
0x2b8: {  	s24 =	sadd.s32 $0x1, s24;
	[tilespmem:v34+s19+$0x0] =	vst.idx.msk $0xffff, v19;
	v19 =	vmul.f32 v51, v52  }
0x2b9: {  	p0 =	sne.s32 s24, s9;
	[tilespmem:v35+s19+$0x0] =	vst.idx.msk $0xffff, v3  }
.Ltmp9:
0x2ba: {  	[tilespmem:v26+s19+$0x0] =	vst.idx.msk $0xffff, v19;
	(pc) =	sbr.rel @p0 .LBB2_1-.Ltmp9, $4  }
0x2bb: {  	[hbm4b:s8+s4] =	stream.linear.scatter [tilespmem:s19], [sflag:$0x6], $0x3000, $0x38;
	[tilespmem:$0x10D00] =	vst v63  }
0x2bc: {  	_ =	swait.ge [sflag:s10], $0x3000  }
0x2bd: {  	[sflag:s10] =	ssyncset.done $0x0  }
0x2be: {  	v3 =	vld [tilespmem:$0x1FFF0];
	[sflag:s10] =	ssyncadd.s32 $0xFFFFD000  }
0x2bf: {  	_ =	sfence.sel $0x180000  }
0x2c0: {  	[bflag:$0x0] =	sbarrier.arrive $0xFFFF  }
0x2c1: {  	_ =	strace $0x90000047  }
0x2c2: {  	s0 =	stileid.u32;
	[bflag:$0x2] =	sbarrier.arrive $0xFFFF  }
0x2c3: {  	p0 =	sne.s32 s0, $0x0;
	s0 =	rddreg [dreg:$0x5]  }
0x2c4: {  	s0 =	sadd.s32 @!p0 $0x100000, s0  }
0x2c5: {  	[sflag:s0] =	ssyncadd.tile.s32 @!p0 $0x1;
	_ =	shalt  }
.Lfunc_end2:
_tile_overlayer_lowered:
.L_overlay_start_2:
0x2c6: {  	(tag) =	ssettag $0x2  }
0x2c7: {  	s0 =	rddreg [dreg:$0x0];
	s2 =	stileid.u32  }
0x2c8: {  	s1 =	rddreg [dreg:$0x1];
	p0 =	sne.s32 s2, $0x0  }
0x2c9: {  	s3 =	rddreg [dreg:$0x2];
	[bflag:$0x3] =	sbarrier.arrive $0xFFFF;
	s2 =	simm.s32 @!p0 $0x1C06  }
0x2ca: {  	[timem:s3], [sflag:s2] =	dma.local @!p0 [hbm:s0], s1  }
0x2cb: {  	s0 =	simm.s32 @!p0 $0x6  }
0x2cc: {  	_ =	swait.ge @!p0 [sflag:s0], s1  }
0x2cd: {  	s1 =	ssub.s32 @!p0 $0x0, s1;
	[sflag:s0] =	ssyncset.done @!p0 $0x0  }
0x2ce: {  	[sflag:s0] =	ssyncadd.s32 @!p0 s1  }
0x2cf: {  	[bflag:$0x3] =	sbarrier.arrive $0xFFFF  }
0x2d0: {  	_ =	shalt  }

</sc_bundles>
